<compile_context>
chip_gen: v7x
topology: tpu7x:2x2x1
jax: 0.10.2.dev20260603
libtpu: 0.0.44.dev20260713+nightly
codegen_flags: <defaults>
</compile_context>

<pallas_src>
import jax
import jax.numpy as jnp
from jax import lax
from jax.experimental import pallas as pl
from jax.experimental.pallas import tpu as pltpu
from jax.experimental.pallas import tpu_sc as plsc

D = 384
P = 512
H = 1024
NC = 2
NS = 16
SW = 24
R = 8
NG = D // R


def _body(table_hbm, out_hbm, buf, sem):
    wid = lax.axis_index("s") * NC + lax.axis_index("c")
    is_i_writer = wid < 16
    base = pl.multiple_of((wid % 16) * SW, 8)

    @pl.when(is_i_writer)
    def _():
        for r in range(R):
            pltpu.sync_copy(table_hbm.at[pl.ds(base, SW)],
                            buf.at[:, r, :])

    @pl.when(jnp.logical_not(is_i_writer))
    def _():
        bj = buf.reshape(R, SW, P)
        for r in range(R):
            pltpu.sync_copy(table_hbm.at[pl.ds(base, SW)], bj.at[r])

    @pl.when(is_i_writer)
    def _():
        @pl.loop(0, NG)
        def _(g):
            g8 = pl.multiple_of(g * R, 8)
            pltpu.async_copy(
                buf,
                out_hbm.at[pl.ds(base, SW), pl.ds(g8, R), pl.ds(0, P)],
                sem)

        @pl.loop(0, NG)
        def _(g):
            pltpu.make_async_copy(
                buf,
                out_hbm.at[pl.ds(base, SW), pl.ds(0, R), pl.ds(0, P)],
                sem).wait()

    @pl.when(jnp.logical_not(is_i_writer))
    def _():
        bj = buf.reshape(R, SW, P)

        @pl.loop(0, NG)
        def _(g):
            g8 = pl.multiple_of(g * R, 8)
            pltpu.async_copy(
                bj,
                out_hbm.at[pl.ds(g8, R), pl.ds(base, SW), pl.ds(P, P)],
                sem)

        @pl.loop(0, NG)
        def _(g):
            pltpu.make_async_copy(
                bj,
                out_hbm.at[pl.ds(0, R), pl.ds(base, SW), pl.ds(P, P)],
                sem).wait()


@jax.jit
def _positions(table):
    mesh = plsc.VectorSubcoreMesh(
        core_axis_name="c", subcore_axis_name="s",
        num_cores=NC, num_subcores=NS)
    f = pl.kernel(
        _body,
        out_type=jax.ShapeDtypeStruct((D, D, H), jnp.float32),
        mesh=mesh,
        scratch_types=[
            pltpu.VMEM((SW, R, P), jnp.float32),
            pltpu.SemaphoreType.DMA,
        ],
    )
    return f(table)


def kernel(table, spatial_shape):
    return _positions(table)

# --- scband reference (transcript-rebuilt; emitter-appended) ---
"""Pipeline reference for scband-position-embeddings-50637664420198 (READ-ONLY COPY).

The authoritative reference and input builder live on the scoring server;
editing this copy changes nothing except your own understanding.
"""

import jax, jax.numpy as jnp
import numpy as np

NUM_POSITIONS = 512
HIDDEN_SIZE = 1024
NUM_SPATIAL_DIMS = 2
POS_DIM = HIDDEN_SIZE // NUM_SPATIAL_DIMS


def setup_inputs(seed: int = 0) -> dict:
    key = jax.random.key(seed)
    table = jax.random.normal(key, (NUM_POSITIONS, POS_DIM), dtype=jnp.float32)
    return {"table": table, "spatial_shape": 384}


def reference(table, spatial_shape):
    # spatial_shape is an int -> expand to (d,) * num_spatial_dims
    ss = (384,) * NUM_SPATIAL_DIMS
    pos_dim = table.shape[-1]
    # per-axis embedding lookup: gather rows 0..d-1 from the table
    idx = jnp.arange(384, dtype=jnp.int32) + (spatial_shape - spatial_shape)
    embs = [jnp.take(table, idx, axis=0) for d in ss]
    out_embs = []
    for i, emb in enumerate(embs):
        shape = tuple(1 if i != j else d for j, d in enumerate(ss)) + (pos_dim,)
        out_embs.append(jnp.broadcast_to(emb.reshape(shape), ss + (pos_dim,)))
    padding = jnp.zeros(ss + (HIDDEN_SIZE - len(ss) * pos_dim,), dtype=table.dtype)
    positions = jnp.concatenate(out_embs + [padding], axis=-1)
    return positions

if __name__ == "__main__":
    import jax
    _d = setup_inputs()
    print(jax.jit(kernel)(*tuple(_d.values())))

</pallas_src>

<mosaic_0001>
#map = affine_map<(d0, d1) -> (0, 0)>
#map1 = affine_map<(d0, d1) -> (0, 0, 0)>
module attributes {stable_mosaic.version = 14 : i64} {
  func.func @_body(%arg0: i32, %arg1: i32, %arg2: memref<512x512xf32, #tpu.memory_space<hbm>>, %arg3: memref<384x384x1024xf32, #tpu.memory_space<hbm>>, %arg4: memref<24x8x512xf32, #tpu.memory_space<vmem>>, %arg5: memref<!tpu.dma_semaphore, #tpu.memory_space<semaphore_mem>>) attributes {dimension_semantics = [#tpu.dimension_semantics<core_parallel>, #tpu.dimension_semantics<subcore_parallel>], iteration_bounds = array<i64: 2, 16>, scalar_prefetch = 0 : i64, scratch_operands = 2 : i64, tpu.core_type = #tpu.core_type<sc_vector_subcore>, window_params = [{transform_indices = #map}, {transform_indices = #map1}]} {
    %mul3A = arith.constant 2 : i32
    %mul3A_0 = arith.muli %arg1, %mul3A : i32
    %add3A = arith.addi %mul3A_0, %arg0 : i32
    %lt3A = arith.constant 16 : i32
    %lt3A_1 = arith.cmpi slt, %add3A, %lt3A : i32
    %jit3A = arith.constant 16 : i32
    %eq3A = arith.constant 0 : i32
    %eq3A_2 = arith.cmpi eq, %jit3A, %eq3A : i32
    %jit3A_3 = arith.constant 1 : i32
    %select_n3A = arith.select %eq3A_2, %jit3A_3, %jit3A : i32
    %rem3A = arith.remsi %add3A, %select_n3A : i32
    %ne3A = arith.constant 0 : i32
    %ne3A_4 = arith.cmpi ne, %rem3A, %ne3A : i32
    %lt3A_5 = arith.constant 0 : i32
    %lt3A_6 = arith.cmpi slt, %rem3A, %lt3A_5 : i32
    %lt3A_7 = arith.constant 0 : i32
    %lt3A_8 = arith.cmpi slt, %select_n3A, %lt3A_7 : i32
    %ne3A_9 = arith.xori %lt3A_6, %lt3A_8 : i1
    %and3A = arith.andi %ne3A_9, %ne3A_4 : i1
    %add3A_10 = arith.addi %rem3A, %select_n3A : i32
    %select_n3A_11 = arith.select %and3A, %add3A_10, %rem3A : i32
    %mul3A_12 = arith.constant 24 : i32
    %mul3A_13 = arith.muli %select_n3A_11, %mul3A_12 : i32
    %multiple_of3A = tpu.assume_multiple %mul3A_13, 8 : i32
    %convert_element_type3A = arith.extui %lt3A_1 : i1 to i32
    %cond3A = arith.constant 0 : i32
    %cond3A_14 = arith.cmpi ne, %convert_element_type3A, %cond3A : i32
    scf.if %cond3A_14 {
      %run_scoped3A = arith.constant 0 : i32
      "tpu.region"() ({
        %run_scoped3A_34 = tpu.sem_alloc : memref<!tpu.dma_semaphore, #tpu.memory_space<semaphore_mem>>
        %dma_start3A = arith.constant 0 : i32
        %dma_start3A_35 = arith.constant 0 : i32
        %dma_start3A_36 = tpu.memref_slice %arg4[%dma_start3A, %run_scoped3A, %dma_start3A_35] : memref<24x8x512xf32, #tpu.memory_space<vmem>> -> memref<24x1x512xf32, #tpu.memory_space<vmem>>
        %dma_start3A_37 = tpu.memref_squeeze %dma_start3A_36 : memref<24x1x512xf32, #tpu.memory_space<vmem>> -> memref<24x512xf32, #tpu.memory_space<vmem>>
        %dma_start3A_38 = arith.constant 0 : i32
        %dma_start3A_39 = tpu.memref_slice %arg2[%multiple_of3A, %dma_start3A_38] : memref<512x512xf32, #tpu.memory_space<hbm>> -> memref<24x512xf32, #tpu.memory_space<hbm>>
        %dma_start3A_40 = arith.constant 0 : i32
        %dma_start3A_41 = arith.constant 0 : i32
        %dma_start3A_42 = tpu.memref_slice %arg4[%dma_start3A_40, %run_scoped3A, %dma_start3A_41] : memref<24x8x512xf32, #tpu.memory_space<vmem>> -> memref<24x1x512xf32, #tpu.memory_space<vmem>>
        %dma_start3A_43 = tpu.memref_squeeze %dma_start3A_42 : memref<24x1x512xf32, #tpu.memory_space<vmem>> -> memref<24x512xf32, #tpu.memory_space<vmem>>
        %dma_start3A_44 = arith.constant 0 : i32
        %dma_start3A_45 = tpu.memref_slice %arg2[%multiple_of3A, %dma_start3A_44] : memref<512x512xf32, #tpu.memory_space<hbm>> -> memref<24x512xf32, #tpu.memory_space<hbm>>
        tpu.enqueue_dma source(%dma_start3A_45 : memref<24x512xf32, #tpu.memory_space<hbm>>) target(%dma_start3A_43 : memref<24x512xf32, #tpu.memory_space<vmem>>) target_semaphore(%run_scoped3A_34 : memref<!tpu.dma_semaphore, #tpu.memory_space<semaphore_mem>>)
        %dma_wait3A = arith.constant 0 : i32
        %dma_wait3A_46 = arith.constant 0 : i32
        %dma_wait3A_47 = tpu.memref_slice %arg4[%dma_wait3A, %run_scoped3A, %dma_wait3A_46] : memref<24x8x512xf32, #tpu.memory_space<vmem>> -> memref<24x1x512xf32, #tpu.memory_space<vmem>>
        %dma_wait3A_48 = tpu.memref_squeeze %dma_wait3A_47 : memref<24x1x512xf32, #tpu.memory_space<vmem>> -> memref<24x512xf32, #tpu.memory_space<vmem>>
        %dma_wait3A_49 = arith.constant 0 : i32
        %dma_wait3A_50 = tpu.memref_slice %arg2[%multiple_of3A, %dma_wait3A_49] : memref<512x512xf32, #tpu.memory_space<hbm>> -> memref<24x512xf32, #tpu.memory_space<hbm>>
        %dma_wait3A_51 = arith.constant 0 : i32
        %dma_wait3A_52 = arith.constant 0 : i32
        %dma_wait3A_53 = tpu.memref_slice %arg4[%dma_wait3A_51, %run_scoped3A, %dma_wait3A_52] : memref<24x8x512xf32, #tpu.memory_space<vmem>> -> memref<24x1x512xf32, #tpu.memory_space<vmem>>
        %dma_wait3A_54 = tpu.memref_squeeze %dma_wait3A_53 : memref<24x1x512xf32, #tpu.memory_space<vmem>> -> memref<24x512xf32, #tpu.memory_space<vmem>>
        %dma_wait3A_55 = arith.constant 0 : i32
        %dma_wait3A_56 = tpu.memref_slice %arg2[%multiple_of3A, %dma_wait3A_55] : memref<512x512xf32, #tpu.memory_space<hbm>> -> memref<24x512xf32, #tpu.memory_space<hbm>>
        tpu.wait_dma2 semaphore(%run_scoped3A_34 : memref<!tpu.dma_semaphore, #tpu.memory_space<semaphore_mem>>) src(%dma_wait3A_56 : memref<24x512xf32, #tpu.memory_space<hbm>>) dst(%dma_wait3A_54 : memref<24x512xf32, #tpu.memory_space<vmem>>)
        tpu.yield
      }) : () -> ()
      %run_scoped3A_27 = arith.constant 1 : i32
      "tpu.region"() ({
        %run_scoped3A_34 = tpu.sem_alloc : memref<!tpu.dma_semaphore, #tpu.memory_space<semaphore_mem>>
        %dma_start3A = arith.constant 0 : i32
        %dma_start3A_35 = arith.constant 0 : i32
        %dma_start3A_36 = tpu.memref_slice %arg4[%dma_start3A, %run_scoped3A_27, %dma_start3A_35] : memref<24x8x512xf32, #tpu.memory_space<vmem>> -> memref<24x1x512xf32, #tpu.memory_space<vmem>>
        %dma_start3A_37 = tpu.memref_squeeze %dma_start3A_36 : memref<24x1x512xf32, #tpu.memory_space<vmem>> -> memref<24x512xf32, #tpu.memory_space<vmem>>
        %dma_start3A_38 = arith.constant 0 : i32
        %dma_start3A_39 = tpu.memref_slice %arg2[%multiple_of3A, %dma_start3A_38] : memref<512x512xf32, #tpu.memory_space<hbm>> -> memref<24x512xf32, #tpu.memory_space<hbm>>
        %dma_start3A_40 = arith.constant 0 : i32
        %dma_start3A_41 = arith.constant 0 : i32
        %dma_start3A_42 = tpu.memref_slice %arg4[%dma_start3A_40, %run_scoped3A_27, %dma_start3A_41] : memref<24x8x512xf32, #tpu.memory_space<vmem>> -> memref<24x1x512xf32, #tpu.memory_space<vmem>>
        %dma_start3A_43 = tpu.memref_squeeze %dma_start3A_42 : memref<24x1x512xf32, #tpu.memory_space<vmem>> -> memref<24x512xf32, #tpu.memory_space<vmem>>
        %dma_start3A_44 = arith.constant 0 : i32
        %dma_start3A_45 = tpu.memref_slice %arg2[%multiple_of3A, %dma_start3A_44] : memref<512x512xf32, #tpu.memory_space<hbm>> -> memref<24x512xf32, #tpu.memory_space<hbm>>
        tpu.enqueue_dma source(%dma_start3A_45 : memref<24x512xf32, #tpu.memory_space<hbm>>) target(%dma_start3A_43 : memref<24x512xf32, #tpu.memory_space<vmem>>) target_semaphore(%run_scoped3A_34 : memref<!tpu.dma_semaphore, #tpu.memory_space<semaphore_mem>>)
        %dma_wait3A = arith.constant 0 : i32
        %dma_wait3A_46 = arith.constant 0 : i32
        %dma_wait3A_47 = tpu.memref_slice %arg4[%dma_wait3A, %run_scoped3A_27, %dma_wait3A_46] : memref<24x8x512xf32, #tpu.memory_space<vmem>> -> memref<24x1x512xf32, #tpu.memory_space<vmem>>
        %dma_wait3A_48 = tpu.memref_squeeze %dma_wait3A_47 : memref<24x1x512xf32, #tpu.memory_space<vmem>> -> memref<24x512xf32, #tpu.memory_space<vmem>>
        %dma_wait3A_49 = arith.constant 0 : i32
        %dma_wait3A_50 = tpu.memref_slice %arg2[%multiple_of3A, %dma_wait3A_49] : memref<512x512xf32, #tpu.memory_space<hbm>> -> memref<24x512xf32, #tpu.memory_space<hbm>>
        %dma_wait3A_51 = arith.constant 0 : i32
        %dma_wait3A_52 = arith.constant 0 : i32
        %dma_wait3A_53 = tpu.memref_slice %arg4[%dma_wait3A_51, %run_scoped3A_27, %dma_wait3A_52] : memref<24x8x512xf32, #tpu.memory_space<vmem>> -> memref<24x1x512xf32, #tpu.memory_space<vmem>>
        %dma_wait3A_54 = tpu.memref_squeeze %dma_wait3A_53 : memref<24x1x512xf32, #tpu.memory_space<vmem>> -> memref<24x512xf32, #tpu.memory_space<vmem>>
        %dma_wait3A_55 = arith.constant 0 : i32
        %dma_wait3A_56 = tpu.memref_slice %arg2[%multiple_of3A, %dma_wait3A_55] : memref<512x512xf32, #tpu.memory_space<hbm>> -> memref<24x512xf32, #tpu.memory_space<hbm>>
        tpu.wait_dma2 semaphore(%run_scoped3A_34 : memref<!tpu.dma_semaphore, #tpu.memory_space<semaphore_mem>>) src(%dma_wait3A_56 : memref<24x512xf32, #tpu.memory_space<hbm>>) dst(%dma_wait3A_54 : memref<24x512xf32, #tpu.memory_space<vmem>>)
        tpu.yield
      }) : () -> ()
      %run_scoped3A_28 = arith.constant 2 : i32
      "tpu.region"() ({
        %run_scoped3A_34 = tpu.sem_alloc : memref<!tpu.dma_semaphore, #tpu.memory_space<semaphore_mem>>
        %dma_start3A = arith.constant 0 : i32
        %dma_start3A_35 = arith.constant 0 : i32
        %dma_start3A_36 = tpu.memref_slice %arg4[%dma_start3A, %run_scoped3A_28, %dma_start3A_35] : memref<24x8x512xf32, #tpu.memory_space<vmem>> -> memref<24x1x512xf32, #tpu.memory_space<vmem>>
        %dma_start3A_37 = tpu.memref_squeeze %dma_start3A_36 : memref<24x1x512xf32, #tpu.memory_space<vmem>> -> memref<24x512xf32, #tpu.memory_space<vmem>>
        %dma_start3A_38 = arith.constant 0 : i32
        %dma_start3A_39 = tpu.memref_slice %arg2[%multiple_of3A, %dma_start3A_38] : memref<512x512xf32, #tpu.memory_space<hbm>> -> memref<24x512xf32, #tpu.memory_space<hbm>>
        %dma_start3A_40 = arith.constant 0 : i32
        %dma_start3A_41 = arith.constant 0 : i32
        %dma_start3A_42 = tpu.memref_slice %arg4[%dma_start3A_40, %run_scoped3A_28, %dma_start3A_41] : memref<24x8x512xf32, #tpu.memory_space<vmem>> -> memref<24x1x512xf32, #tpu.memory_space<vmem>>
        %dma_start3A_43 = tpu.memref_squeeze %dma_start3A_42 : memref<24x1x512xf32, #tpu.memory_space<vmem>> -> memref<24x512xf32, #tpu.memory_space<vmem>>
        %dma_start3A_44 = arith.constant 0 : i32
        %dma_start3A_45 = tpu.memref_slice %arg2[%multiple_of3A, %dma_start3A_44] : memref<512x512xf32, #tpu.memory_space<hbm>> -> memref<24x512xf32, #tpu.memory_space<hbm>>
        tpu.enqueue_dma source(%dma_start3A_45 : memref<24x512xf32, #tpu.memory_space<hbm>>) target(%dma_start3A_43 : memref<24x512xf32, #tpu.memory_space<vmem>>) target_semaphore(%run_scoped3A_34 : memref<!tpu.dma_semaphore, #tpu.memory_space<semaphore_mem>>)
        %dma_wait3A = arith.constant 0 : i32
        %dma_wait3A_46 = arith.constant 0 : i32
        %dma_wait3A_47 = tpu.memref_slice %arg4[%dma_wait3A, %run_scoped3A_28, %dma_wait3A_46] : memref<24x8x512xf32, #tpu.memory_space<vmem>> -> memref<24x1x512xf32, #tpu.memory_space<vmem>>
        %dma_wait3A_48 = tpu.memref_squeeze %dma_wait3A_47 : memref<24x1x512xf32, #tpu.memory_space<vmem>> -> memref<24x512xf32, #tpu.memory_space<vmem>>
        %dma_wait3A_49 = arith.constant 0 : i32
        %dma_wait3A_50 = tpu.memref_slice %arg2[%multiple_of3A, %dma_wait3A_49] : memref<512x512xf32, #tpu.memory_space<hbm>> -> memref<24x512xf32, #tpu.memory_space<hbm>>
        %dma_wait3A_51 = arith.constant 0 : i32
        %dma_wait3A_52 = arith.constant 0 : i32
        %dma_wait3A_53 = tpu.memref_slice %arg4[%dma_wait3A_51, %run_scoped3A_28, %dma_wait3A_52] : memref<24x8x512xf32, #tpu.memory_space<vmem>> -> memref<24x1x512xf32, #tpu.memory_space<vmem>>
        %dma_wait3A_54 = tpu.memref_squeeze %dma_wait3A_53 : memref<24x1x512xf32, #tpu.memory_space<vmem>> -> memref<24x512xf32, #tpu.memory_space<vmem>>
        %dma_wait3A_55 = arith.constant 0 : i32
        %dma_wait3A_56 = tpu.memref_slice %arg2[%multiple_of3A, %dma_wait3A_55] : memref<512x512xf32, #tpu.memory_space<hbm>> -> memref<24x512xf32, #tpu.memory_space<hbm>>
        tpu.wait_dma2 semaphore(%run_scoped3A_34 : memref<!tpu.dma_semaphore, #tpu.memory_space<semaphore_mem>>) src(%dma_wait3A_56 : memref<24x512xf32, #tpu.memory_space<hbm>>) dst(%dma_wait3A_54 : memref<24x512xf32, #tpu.memory_space<vmem>>)
        tpu.yield
      }) : () -> ()
      %run_scoped3A_29 = arith.constant 3 : i32
      "tpu.region"() ({
        %run_scoped3A_34 = tpu.sem_alloc : memref<!tpu.dma_semaphore, #tpu.memory_space<semaphore_mem>>
        %dma_start3A = arith.constant 0 : i32
        %dma_start3A_35 = arith.constant 0 : i32
        %dma_start3A_36 = tpu.memref_slice %arg4[%dma_start3A, %run_scoped3A_29, %dma_start3A_35] : memref<24x8x512xf32, #tpu.memory_space<vmem>> -> memref<24x1x512xf32, #tpu.memory_space<vmem>>
        %dma_start3A_37 = tpu.memref_squeeze %dma_start3A_36 : memref<24x1x512xf32, #tpu.memory_space<vmem>> -> memref<24x512xf32, #tpu.memory_space<vmem>>
        %dma_start3A_38 = arith.constant 0 : i32
        %dma_start3A_39 = tpu.memref_slice %arg2[%multiple_of3A, %dma_start3A_38] : memref<512x512xf32, #tpu.memory_space<hbm>> -> memref<24x512xf32, #tpu.memory_space<hbm>>
        %dma_start3A_40 = arith.constant 0 : i32
        %dma_start3A_41 = arith.constant 0 : i32
        %dma_start3A_42 = tpu.memref_slice %arg4[%dma_start3A_40, %run_scoped3A_29, %dma_start3A_41] : memref<24x8x512xf32, #tpu.memory_space<vmem>> -> memref<24x1x512xf32, #tpu.memory_space<vmem>>
        %dma_start3A_43 = tpu.memref_squeeze %dma_start3A_42 : memref<24x1x512xf32, #tpu.memory_space<vmem>> -> memref<24x512xf32, #tpu.memory_space<vmem>>
        %dma_start3A_44 = arith.constant 0 : i32
        %dma_start3A_45 = tpu.memref_slice %arg2[%multiple_of3A, %dma_start3A_44] : memref<512x512xf32, #tpu.memory_space<hbm>> -> memref<24x512xf32, #tpu.memory_space<hbm>>
        tpu.enqueue_dma source(%dma_start3A_45 : memref<24x512xf32, #tpu.memory_space<hbm>>) target(%dma_start3A_43 : memref<24x512xf32, #tpu.memory_space<vmem>>) target_semaphore(%run_scoped3A_34 : memref<!tpu.dma_semaphore, #tpu.memory_space<semaphore_mem>>)
        %dma_wait3A = arith.constant 0 : i32
        %dma_wait3A_46 = arith.constant 0 : i32
        %dma_wait3A_47 = tpu.memref_slice %arg4[%dma_wait3A, %run_scoped3A_29, %dma_wait3A_46] : memref<24x8x512xf32, #tpu.memory_space<vmem>> -> memref<24x1x512xf32, #tpu.memory_space<vmem>>
        %dma_wait3A_48 = tpu.memref_squeeze %dma_wait3A_47 : memref<24x1x512xf32, #tpu.memory_space<vmem>> -> memref<24x512xf32, #tpu.memory_space<vmem>>
        %dma_wait3A_49 = arith.constant 0 : i32
        %dma_wait3A_50 = tpu.memref_slice %arg2[%multiple_of3A, %dma_wait3A_49] : memref<512x512xf32, #tpu.memory_space<hbm>> -> memref<24x512xf32, #tpu.memory_space<hbm>>
        %dma_wait3A_51 = arith.constant 0 : i32
        %dma_wait3A_52 = arith.constant 0 : i32
        %dma_wait3A_53 = tpu.memref_slice %arg4[%dma_wait3A_51, %run_scoped3A_29, %dma_wait3A_52] : memref<24x8x512xf32, #tpu.memory_space<vmem>> -> memref<24x1x512xf32, #tpu.memory_space<vmem>>
        %dma_wait3A_54 = tpu.memref_squeeze %dma_wait3A_53 : memref<24x1x512xf32, #tpu.memory_space<vmem>> -> memref<24x512xf32, #tpu.memory_space<vmem>>
        %dma_wait3A_55 = arith.constant 0 : i32
        %dma_wait3A_56 = tpu.memref_slice %arg2[%multiple_of3A, %dma_wait3A_55] : memref<512x512xf32, #tpu.memory_space<hbm>> -> memref<24x512xf32, #tpu.memory_space<hbm>>
        tpu.wait_dma2 semaphore(%run_scoped3A_34 : memref<!tpu.dma_semaphore, #tpu.memory_space<semaphore_mem>>) src(%dma_wait3A_56 : memref<24x512xf32, #tpu.memory_space<hbm>>) dst(%dma_wait3A_54 : memref<24x512xf32, #tpu.memory_space<vmem>>)
        tpu.yield
      }) : () -> ()
      %run_scoped3A_30 = arith.constant 4 : i32
      "tpu.region"() ({
        %run_scoped3A_34 = tpu.sem_alloc : memref<!tpu.dma_semaphore, #tpu.memory_space<semaphore_mem>>
        %dma_start3A = arith.constant 0 : i32
        %dma_start3A_35 = arith.constant 0 : i32
        %dma_start3A_36 = tpu.memref_slice %arg4[%dma_start3A, %run_scoped3A_30, %dma_start3A_35] : memref<24x8x512xf32, #tpu.memory_space<vmem>> -> memref<24x1x512xf32, #tpu.memory_space<vmem>>
        %dma_start3A_37 = tpu.memref_squeeze %dma_start3A_36 : memref<24x1x512xf32, #tpu.memory_space<vmem>> -> memref<24x512xf32, #tpu.memory_space<vmem>>
        %dma_start3A_38 = arith.constant 0 : i32
        %dma_start3A_39 = tpu.memref_slice %arg2[%multiple_of3A, %dma_start3A_38] : memref<512x512xf32, #tpu.memory_space<hbm>> -> memref<24x512xf32, #tpu.memory_space<hbm>>
        %dma_start3A_40 = arith.constant 0 : i32
        %dma_start3A_41 = arith.constant 0 : i32
        %dma_start3A_42 = tpu.memref_slice %arg4[%dma_start3A_40, %run_scoped3A_30, %dma_start3A_41] : memref<24x8x512xf32, #tpu.memory_space<vmem>> -> memref<24x1x512xf32, #tpu.memory_space<vmem>>
        %dma_start3A_43 = tpu.memref_squeeze %dma_start3A_42 : memref<24x1x512xf32, #tpu.memory_space<vmem>> -> memref<24x512xf32, #tpu.memory_space<vmem>>
        %dma_start3A_44 = arith.constant 0 : i32
        %dma_start3A_45 = tpu.memref_slice %arg2[%multiple_of3A, %dma_start3A_44] : memref<512x512xf32, #tpu.memory_space<hbm>> -> memref<24x512xf32, #tpu.memory_space<hbm>>
        tpu.enqueue_dma source(%dma_start3A_45 : memref<24x512xf32, #tpu.memory_space<hbm>>) target(%dma_start3A_43 : memref<24x512xf32, #tpu.memory_space<vmem>>) target_semaphore(%run_scoped3A_34 : memref<!tpu.dma_semaphore, #tpu.memory_space<semaphore_mem>>)
        %dma_wait3A = arith.constant 0 : i32
        %dma_wait3A_46 = arith.constant 0 : i32
        %dma_wait3A_47 = tpu.memref_slice %arg4[%dma_wait3A, %run_scoped3A_30, %dma_wait3A_46] : memref<24x8x512xf32, #tpu.memory_space<vmem>> -> memref<24x1x512xf32, #tpu.memory_space<vmem>>
        %dma_wait3A_48 = tpu.memref_squeeze %dma_wait3A_47 : memref<24x1x512xf32, #tpu.memory_space<vmem>> -> memref<24x512xf32, #tpu.memory_space<vmem>>
        %dma_wait3A_49 = arith.constant 0 : i32
        %dma_wait3A_50 = tpu.memref_slice %arg2[%multiple_of3A, %dma_wait3A_49] : memref<512x512xf32, #tpu.memory_space<hbm>> -> memref<24x512xf32, #tpu.memory_space<hbm>>
        %dma_wait3A_51 = arith.constant 0 : i32
        %dma_wait3A_52 = arith.constant 0 : i32
        %dma_wait3A_53 = tpu.memref_slice %arg4[%dma_wait3A_51, %run_scoped3A_30, %dma_wait3A_52] : memref<24x8x512xf32, #tpu.memory_space<vmem>> -> memref<24x1x512xf32, #tpu.memory_space<vmem>>
        %dma_wait3A_54 = tpu.memref_squeeze %dma_wait3A_53 : memref<24x1x512xf32, #tpu.memory_space<vmem>> -> memref<24x512xf32, #tpu.memory_space<vmem>>
        %dma_wait3A_55 = arith.constant 0 : i32
        %dma_wait3A_56 = tpu.memref_slice %arg2[%multiple_of3A, %dma_wait3A_55] : memref<512x512xf32, #tpu.memory_space<hbm>> -> memref<24x512xf32, #tpu.memory_space<hbm>>
        tpu.wait_dma2 semaphore(%run_scoped3A_34 : memref<!tpu.dma_semaphore, #tpu.memory_space<semaphore_mem>>) src(%dma_wait3A_56 : memref<24x512xf32, #tpu.memory_space<hbm>>) dst(%dma_wait3A_54 : memref<24x512xf32, #tpu.memory_space<vmem>>)
        tpu.yield
      }) : () -> ()
      %run_scoped3A_31 = arith.constant 5 : i32
      "tpu.region"() ({
        %run_scoped3A_34 = tpu.sem_alloc : memref<!tpu.dma_semaphore, #tpu.memory_space<semaphore_mem>>
        %dma_start3A = arith.constant 0 : i32
        %dma_start3A_35 = arith.constant 0 : i32
        %dma_start3A_36 = tpu.memref_slice %arg4[%dma_start3A, %run_scoped3A_31, %dma_start3A_35] : memref<24x8x512xf32, #tpu.memory_space<vmem>> -> memref<24x1x512xf32, #tpu.memory_space<vmem>>
        %dma_start3A_37 = tpu.memref_squeeze %dma_start3A_36 : memref<24x1x512xf32, #tpu.memory_space<vmem>> -> memref<24x512xf32, #tpu.memory_space<vmem>>
        %dma_start3A_38 = arith.constant 0 : i32
        %dma_start3A_39 = tpu.memref_slice %arg2[%multiple_of3A, %dma_start3A_38] : memref<512x512xf32, #tpu.memory_space<hbm>> -> memref<24x512xf32, #tpu.memory_space<hbm>>
        %dma_start3A_40 = arith.constant 0 : i32
        %dma_start3A_41 = arith.constant 0 : i32
        %dma_start3A_42 = tpu.memref_slice %arg4[%dma_start3A_40, %run_scoped3A_31, %dma_start3A_41] : memref<24x8x512xf32, #tpu.memory_space<vmem>> -> memref<24x1x512xf32, #tpu.memory_space<vmem>>
        %dma_start3A_43 = tpu.memref_squeeze %dma_start3A_42 : memref<24x1x512xf32, #tpu.memory_space<vmem>> -> memref<24x512xf32, #tpu.memory_space<vmem>>
        %dma_start3A_44 = arith.constant 0 : i32
        %dma_start3A_45 = tpu.memref_slice %arg2[%multiple_of3A, %dma_start3A_44] : memref<512x512xf32, #tpu.memory_space<hbm>> -> memref<24x512xf32, #tpu.memory_space<hbm>>
        tpu.enqueue_dma source(%dma_start3A_45 : memref<24x512xf32, #tpu.memory_space<hbm>>) target(%dma_start3A_43 : memref<24x512xf32, #tpu.memory_space<vmem>>) target_semaphore(%run_scoped3A_34 : memref<!tpu.dma_semaphore, #tpu.memory_space<semaphore_mem>>)
        %dma_wait3A = arith.constant 0 : i32
        %dma_wait3A_46 = arith.constant 0 : i32
        %dma_wait3A_47 = tpu.memref_slice %arg4[%dma_wait3A, %run_scoped3A_31, %dma_wait3A_46] : memref<24x8x512xf32, #tpu.memory_space<vmem>> -> memref<24x1x512xf32, #tpu.memory_space<vmem>>
        %dma_wait3A_48 = tpu.memref_squeeze %dma_wait3A_47 : memref<24x1x512xf32, #tpu.memory_space<vmem>> -> memref<24x512xf32, #tpu.memory_space<vmem>>
        %dma_wait3A_49 = arith.constant 0 : i32
        %dma_wait3A_50 = tpu.memref_slice %arg2[%multiple_of3A, %dma_wait3A_49] : memref<512x512xf32, #tpu.memory_space<hbm>> -> memref<24x512xf32, #tpu.memory_space<hbm>>
        %dma_wait3A_51 = arith.constant 0 : i32
        %dma_wait3A_52 = arith.constant 0 : i32
        %dma_wait3A_53 = tpu.memref_slice %arg4[%dma_wait3A_51, %run_scoped3A_31, %dma_wait3A_52] : memref<24x8x512xf32, #tpu.memory_space<vmem>> -> memref<24x1x512xf32, #tpu.memory_space<vmem>>
        %dma_wait3A_54 = tpu.memref_squeeze %dma_wait3A_53 : memref<24x1x512xf32, #tpu.memory_space<vmem>> -> memref<24x512xf32, #tpu.memory_space<vmem>>
        %dma_wait3A_55 = arith.constant 0 : i32
        %dma_wait3A_56 = tpu.memref_slice %arg2[%multiple_of3A, %dma_wait3A_55] : memref<512x512xf32, #tpu.memory_space<hbm>> -> memref<24x512xf32, #tpu.memory_space<hbm>>
        tpu.wait_dma2 semaphore(%run_scoped3A_34 : memref<!tpu.dma_semaphore, #tpu.memory_space<semaphore_mem>>) src(%dma_wait3A_56 : memref<24x512xf32, #tpu.memory_space<hbm>>) dst(%dma_wait3A_54 : memref<24x512xf32, #tpu.memory_space<vmem>>)
        tpu.yield
      }) : () -> ()
      %run_scoped3A_32 = arith.constant 6 : i32
      "tpu.region"() ({
        %run_scoped3A_34 = tpu.sem_alloc : memref<!tpu.dma_semaphore, #tpu.memory_space<semaphore_mem>>
        %dma_start3A = arith.constant 0 : i32
        %dma_start3A_35 = arith.constant 0 : i32
        %dma_start3A_36 = tpu.memref_slice %arg4[%dma_start3A, %run_scoped3A_32, %dma_start3A_35] : memref<24x8x512xf32, #tpu.memory_space<vmem>> -> memref<24x1x512xf32, #tpu.memory_space<vmem>>
        %dma_start3A_37 = tpu.memref_squeeze %dma_start3A_36 : memref<24x1x512xf32, #tpu.memory_space<vmem>> -> memref<24x512xf32, #tpu.memory_space<vmem>>
        %dma_start3A_38 = arith.constant 0 : i32
        %dma_start3A_39 = tpu.memref_slice %arg2[%multiple_of3A, %dma_start3A_38] : memref<512x512xf32, #tpu.memory_space<hbm>> -> memref<24x512xf32, #tpu.memory_space<hbm>>
        %dma_start3A_40 = arith.constant 0 : i32
        %dma_start3A_41 = arith.constant 0 : i32
        %dma_start3A_42 = tpu.memref_slice %arg4[%dma_start3A_40, %run_scoped3A_32, %dma_start3A_41] : memref<24x8x512xf32, #tpu.memory_space<vmem>> -> memref<24x1x512xf32, #tpu.memory_space<vmem>>
        %dma_start3A_43 = tpu.memref_squeeze %dma_start3A_42 : memref<24x1x512xf32, #tpu.memory_space<vmem>> -> memref<24x512xf32, #tpu.memory_space<vmem>>
        %dma_start3A_44 = arith.constant 0 : i32
        %dma_start3A_45 = tpu.memref_slice %arg2[%multiple_of3A, %dma_start3A_44] : memref<512x512xf32, #tpu.memory_space<hbm>> -> memref<24x512xf32, #tpu.memory_space<hbm>>
        tpu.enqueue_dma source(%dma_start3A_45 : memref<24x512xf32, #tpu.memory_space<hbm>>) target(%dma_start3A_43 : memref<24x512xf32, #tpu.memory_space<vmem>>) target_semaphore(%run_scoped3A_34 : memref<!tpu.dma_semaphore, #tpu.memory_space<semaphore_mem>>)
        %dma_wait3A = arith.constant 0 : i32
        %dma_wait3A_46 = arith.constant 0 : i32
        %dma_wait3A_47 = tpu.memref_slice %arg4[%dma_wait3A, %run_scoped3A_32, %dma_wait3A_46] : memref<24x8x512xf32, #tpu.memory_space<vmem>> -> memref<24x1x512xf32, #tpu.memory_space<vmem>>
        %dma_wait3A_48 = tpu.memref_squeeze %dma_wait3A_47 : memref<24x1x512xf32, #tpu.memory_space<vmem>> -> memref<24x512xf32, #tpu.memory_space<vmem>>
        %dma_wait3A_49 = arith.constant 0 : i32
        %dma_wait3A_50 = tpu.memref_slice %arg2[%multiple_of3A, %dma_wait3A_49] : memref<512x512xf32, #tpu.memory_space<hbm>> -> memref<24x512xf32, #tpu.memory_space<hbm>>
        %dma_wait3A_51 = arith.constant 0 : i32
        %dma_wait3A_52 = arith.constant 0 : i32
        %dma_wait3A_53 = tpu.memref_slice %arg4[%dma_wait3A_51, %run_scoped3A_32, %dma_wait3A_52] : memref<24x8x512xf32, #tpu.memory_space<vmem>> -> memref<24x1x512xf32, #tpu.memory_space<vmem>>
        %dma_wait3A_54 = tpu.memref_squeeze %dma_wait3A_53 : memref<24x1x512xf32, #tpu.memory_space<vmem>> -> memref<24x512xf32, #tpu.memory_space<vmem>>
        %dma_wait3A_55 = arith.constant 0 : i32
        %dma_wait3A_56 = tpu.memref_slice %arg2[%multiple_of3A, %dma_wait3A_55] : memref<512x512xf32, #tpu.memory_space<hbm>> -> memref<24x512xf32, #tpu.memory_space<hbm>>
        tpu.wait_dma2 semaphore(%run_scoped3A_34 : memref<!tpu.dma_semaphore, #tpu.memory_space<semaphore_mem>>) src(%dma_wait3A_56 : memref<24x512xf32, #tpu.memory_space<hbm>>) dst(%dma_wait3A_54 : memref<24x512xf32, #tpu.memory_space<vmem>>)
        tpu.yield
      }) : () -> ()
      %run_scoped3A_33 = arith.constant 7 : i32
      "tpu.region"() ({
        %run_scoped3A_34 = tpu.sem_alloc : memref<!tpu.dma_semaphore, #tpu.memory_space<semaphore_mem>>
        %dma_start3A = arith.constant 0 : i32
        %dma_start3A_35 = arith.constant 0 : i32
        %dma_start3A_36 = tpu.memref_slice %arg4[%dma_start3A, %run_scoped3A_33, %dma_start3A_35] : memref<24x8x512xf32, #tpu.memory_space<vmem>> -> memref<24x1x512xf32, #tpu.memory_space<vmem>>
        %dma_start3A_37 = tpu.memref_squeeze %dma_start3A_36 : memref<24x1x512xf32, #tpu.memory_space<vmem>> -> memref<24x512xf32, #tpu.memory_space<vmem>>
        %dma_start3A_38 = arith.constant 0 : i32
        %dma_start3A_39 = tpu.memref_slice %arg2[%multiple_of3A, %dma_start3A_38] : memref<512x512xf32, #tpu.memory_space<hbm>> -> memref<24x512xf32, #tpu.memory_space<hbm>>
        %dma_start3A_40 = arith.constant 0 : i32
        %dma_start3A_41 = arith.constant 0 : i32
        %dma_start3A_42 = tpu.memref_slice %arg4[%dma_start3A_40, %run_scoped3A_33, %dma_start3A_41] : memref<24x8x512xf32, #tpu.memory_space<vmem>> -> memref<24x1x512xf32, #tpu.memory_space<vmem>>
        %dma_start3A_43 = tpu.memref_squeeze %dma_start3A_42 : memref<24x1x512xf32, #tpu.memory_space<vmem>> -> memref<24x512xf32, #tpu.memory_space<vmem>>
        %dma_start3A_44 = arith.constant 0 : i32
        %dma_start3A_45 = tpu.memref_slice %arg2[%multiple_of3A, %dma_start3A_44] : memref<512x512xf32, #tpu.memory_space<hbm>> -> memref<24x512xf32, #tpu.memory_space<hbm>>
        tpu.enqueue_dma source(%dma_start3A_45 : memref<24x512xf32, #tpu.memory_space<hbm>>) target(%dma_start3A_43 : memref<24x512xf32, #tpu.memory_space<vmem>>) target_semaphore(%run_scoped3A_34 : memref<!tpu.dma_semaphore, #tpu.memory_space<semaphore_mem>>)
        %dma_wait3A = arith.constant 0 : i32
        %dma_wait3A_46 = arith.constant 0 : i32
        %dma_wait3A_47 = tpu.memref_slice %arg4[%dma_wait3A, %run_scoped3A_33, %dma_wait3A_46] : memref<24x8x512xf32, #tpu.memory_space<vmem>> -> memref<24x1x512xf32, #tpu.memory_space<vmem>>
        %dma_wait3A_48 = tpu.memref_squeeze %dma_wait3A_47 : memref<24x1x512xf32, #tpu.memory_space<vmem>> -> memref<24x512xf32, #tpu.memory_space<vmem>>
        %dma_wait3A_49 = arith.constant 0 : i32
        %dma_wait3A_50 = tpu.memref_slice %arg2[%multiple_of3A, %dma_wait3A_49] : memref<512x512xf32, #tpu.memory_space<hbm>> -> memref<24x512xf32, #tpu.memory_space<hbm>>
        %dma_wait3A_51 = arith.constant 0 : i32
        %dma_wait3A_52 = arith.constant 0 : i32
        %dma_wait3A_53 = tpu.memref_slice %arg4[%dma_wait3A_51, %run_scoped3A_33, %dma_wait3A_52] : memref<24x8x512xf32, #tpu.memory_space<vmem>> -> memref<24x1x512xf32, #tpu.memory_space<vmem>>
        %dma_wait3A_54 = tpu.memref_squeeze %dma_wait3A_53 : memref<24x1x512xf32, #tpu.memory_space<vmem>> -> memref<24x512xf32, #tpu.memory_space<vmem>>
        %dma_wait3A_55 = arith.constant 0 : i32
        %dma_wait3A_56 = tpu.memref_slice %arg2[%multiple_of3A, %dma_wait3A_55] : memref<512x512xf32, #tpu.memory_space<hbm>> -> memref<24x512xf32, #tpu.memory_space<hbm>>
        tpu.wait_dma2 semaphore(%run_scoped3A_34 : memref<!tpu.dma_semaphore, #tpu.memory_space<semaphore_mem>>) src(%dma_wait3A_56 : memref<24x512xf32, #tpu.memory_space<hbm>>) dst(%dma_wait3A_54 : memref<24x512xf32, #tpu.memory_space<vmem>>)
        tpu.yield
      }) : () -> ()
    } else {
    }
    %not3A = arith.constant true
    %not3A_15 = arith.xori %lt3A_1, %not3A : i1
    %convert_element_type3A_16 = arith.extui %not3A_15 : i1 to i32
    %cond3A_17 = arith.constant 0 : i32
    %cond3A_18 = arith.cmpi ne, %convert_element_type3A_16, %cond3A_17 : i32
    scf.if %cond3A_18 {
      %run_scoped3A = arith.constant 0 : i32
      "tpu.region"() ({
        %run_scoped3A_34 = tpu.sem_alloc : memref<!tpu.dma_semaphore, #tpu.memory_space<semaphore_mem>>
        %dma_start3A = tpu.memref_reshape %arg4 : memref<24x8x512xf32, #tpu.memory_space<vmem>> -> memref<8x24x512xf32, #tpu.memory_space<vmem>>
        %dma_start3A_35 = arith.constant 0 : i32
        %dma_start3A_36 = arith.constant 0 : i32
        %dma_start3A_37 = tpu.memref_slice %dma_start3A[%run_scoped3A, %dma_start3A_35, %dma_start3A_36] : memref<8x24x512xf32, #tpu.memory_space<vmem>> -> memref<1x24x512xf32, #tpu.memory_space<vmem>>
        %dma_start3A_38 = tpu.memref_squeeze %dma_start3A_37 : memref<1x24x512xf32, #tpu.memory_space<vmem>> -> memref<24x512xf32, #tpu.memory_space<vmem>>
        %dma_start3A_39 = arith.constant 0 : i32
        %dma_start3A_40 = tpu.memref_slice %arg2[%multiple_of3A, %dma_start3A_39] : memref<512x512xf32, #tpu.memory_space<hbm>> -> memref<24x512xf32, #tpu.memory_space<hbm>>
        %dma_start3A_41 = tpu.memref_reshape %arg4 : memref<24x8x512xf32, #tpu.memory_space<vmem>> -> memref<8x24x512xf32, #tpu.memory_space<vmem>>
        %dma_start3A_42 = arith.constant 0 : i32
        %dma_start3A_43 = arith.constant 0 : i32
        %dma_start3A_44 = tpu.memref_slice %dma_start3A_41[%run_scoped3A, %dma_start3A_42, %dma_start3A_43] : memref<8x24x512xf32, #tpu.memory_space<vmem>> -> memref<1x24x512xf32, #tpu.memory_space<vmem>>
        %dma_start3A_45 = tpu.memref_squeeze %dma_start3A_44 : memref<1x24x512xf32, #tpu.memory_space<vmem>> -> memref<24x512xf32, #tpu.memory_space<vmem>>
        %dma_start3A_46 = arith.constant 0 : i32
        %dma_start3A_47 = tpu.memref_slice %arg2[%multiple_of3A, %dma_start3A_46] : memref<512x512xf32, #tpu.memory_space<hbm>> -> memref<24x512xf32, #tpu.memory_space<hbm>>
        tpu.enqueue_dma source(%dma_start3A_47 : memref<24x512xf32, #tpu.memory_space<hbm>>) target(%dma_start3A_45 : memref<24x512xf32, #tpu.memory_space<vmem>>) target_semaphore(%run_scoped3A_34 : memref<!tpu.dma_semaphore, #tpu.memory_space<semaphore_mem>>)
        %dma_wait3A = tpu.memref_reshape %arg4 : memref<24x8x512xf32, #tpu.memory_space<vmem>> -> memref<8x24x512xf32, #tpu.memory_space<vmem>>
        %dma_wait3A_48 = arith.constant 0 : i32
        %dma_wait3A_49 = arith.constant 0 : i32
        %dma_wait3A_50 = tpu.memref_slice %dma_wait3A[%run_scoped3A, %dma_wait3A_48, %dma_wait3A_49] : memref<8x24x512xf32, #tpu.memory_space<vmem>> -> memref<1x24x512xf32, #tpu.memory_space<vmem>>
        %dma_wait3A_51 = tpu.memref_squeeze %dma_wait3A_50 : memref<1x24x512xf32, #tpu.memory_space<vmem>> -> memref<24x512xf32, #tpu.memory_space<vmem>>
        %dma_wait3A_52 = arith.constant 0 : i32
        %dma_wait3A_53 = tpu.memref_slice %arg2[%multiple_of3A, %dma_wait3A_52] : memref<512x512xf32, #tpu.memory_space<hbm>> -> memref<24x512xf32, #tpu.memory_space<hbm>>
        %dma_wait3A_54 = tpu.memref_reshape %arg4 : memref<24x8x512xf32, #tpu.memory_space<vmem>> -> memref<8x24x512xf32, #tpu.memory_space<vmem>>
        %dma_wait3A_55 = arith.constant 0 : i32
        %dma_wait3A_56 = arith.constant 0 : i32
        %dma_wait3A_57 = tpu.memref_slice %dma_wait3A_54[%run_scoped3A, %dma_wait3A_55, %dma_wait3A_56] : memref<8x24x512xf32, #tpu.memory_space<vmem>> -> memref<1x24x512xf32, #tpu.memory_space<vmem>>
        %dma_wait3A_58 = tpu.memref_squeeze %dma_wait3A_57 : memref<1x24x512xf32, #tpu.memory_space<vmem>> -> memref<24x512xf32, #tpu.memory_space<vmem>>
        %dma_wait3A_59 = arith.constant 0 : i32
        %dma_wait3A_60 = tpu.memref_slice %arg2[%multiple_of3A, %dma_wait3A_59] : memref<512x512xf32, #tpu.memory_space<hbm>> -> memref<24x512xf32, #tpu.memory_space<hbm>>
        tpu.wait_dma2 semaphore(%run_scoped3A_34 : memref<!tpu.dma_semaphore, #tpu.memory_space<semaphore_mem>>) src(%dma_wait3A_60 : memref<24x512xf32, #tpu.memory_space<hbm>>) dst(%dma_wait3A_58 : memref<24x512xf32, #tpu.memory_space<vmem>>)
        tpu.yield
      }) : () -> ()
      %run_scoped3A_27 = arith.constant 1 : i32
      "tpu.region"() ({
        %run_scoped3A_34 = tpu.sem_alloc : memref<!tpu.dma_semaphore, #tpu.memory_space<semaphore_mem>>
        %dma_start3A = tpu.memref_reshape %arg4 : memref<24x8x512xf32, #tpu.memory_space<vmem>> -> memref<8x24x512xf32, #tpu.memory_space<vmem>>
        %dma_start3A_35 = arith.constant 0 : i32
        %dma_start3A_36 = arith.constant 0 : i32
        %dma_start3A_37 = tpu.memref_slice %dma_start3A[%run_scoped3A_27, %dma_start3A_35, %dma_start3A_36] : memref<8x24x512xf32, #tpu.memory_space<vmem>> -> memref<1x24x512xf32, #tpu.memory_space<vmem>>
        %dma_start3A_38 = tpu.memref_squeeze %dma_start3A_37 : memref<1x24x512xf32, #tpu.memory_space<vmem>> -> memref<24x512xf32, #tpu.memory_space<vmem>>
        %dma_start3A_39 = arith.constant 0 : i32
        %dma_start3A_40 = tpu.memref_slice %arg2[%multiple_of3A, %dma_start3A_39] : memref<512x512xf32, #tpu.memory_space<hbm>> -> memref<24x512xf32, #tpu.memory_space<hbm>>
        %dma_start3A_41 = tpu.memref_reshape %arg4 : memref<24x8x512xf32, #tpu.memory_space<vmem>> -> memref<8x24x512xf32, #tpu.memory_space<vmem>>
        %dma_start3A_42 = arith.constant 0 : i32
        %dma_start3A_43 = arith.constant 0 : i32
        %dma_start3A_44 = tpu.memref_slice %dma_start3A_41[%run_scoped3A_27, %dma_start3A_42, %dma_start3A_43] : memref<8x24x512xf32, #tpu.memory_space<vmem>> -> memref<1x24x512xf32, #tpu.memory_space<vmem>>
        %dma_start3A_45 = tpu.memref_squeeze %dma_start3A_44 : memref<1x24x512xf32, #tpu.memory_space<vmem>> -> memref<24x512xf32, #tpu.memory_space<vmem>>
        %dma_start3A_46 = arith.constant 0 : i32
        %dma_start3A_47 = tpu.memref_slice %arg2[%multiple_of3A, %dma_start3A_46] : memref<512x512xf32, #tpu.memory_space<hbm>> -> memref<24x512xf32, #tpu.memory_space<hbm>>
        tpu.enqueue_dma source(%dma_start3A_47 : memref<24x512xf32, #tpu.memory_space<hbm>>) target(%dma_start3A_45 : memref<24x512xf32, #tpu.memory_space<vmem>>) target_semaphore(%run_scoped3A_34 : memref<!tpu.dma_semaphore, #tpu.memory_space<semaphore_mem>>)
        %dma_wait3A = tpu.memref_reshape %arg4 : memref<24x8x512xf32, #tpu.memory_space<vmem>> -> memref<8x24x512xf32, #tpu.memory_space<vmem>>
        %dma_wait3A_48 = arith.constant 0 : i32
        %dma_wait3A_49 = arith.constant 0 : i32
        %dma_wait3A_50 = tpu.memref_slice %dma_wait3A[%run_scoped3A_27, %dma_wait3A_48, %dma_wait3A_49] : memref<8x24x512xf32, #tpu.memory_space<vmem>> -> memref<1x24x512xf32, #tpu.memory_space<vmem>>
        %dma_wait3A_51 = tpu.memref_squeeze %dma_wait3A_50 : memref<1x24x512xf32, #tpu.memory_space<vmem>> -> memref<24x512xf32, #tpu.memory_space<vmem>>
        %dma_wait3A_52 = arith.constant 0 : i32
        %dma_wait3A_53 = tpu.memref_slice %arg2[%multiple_of3A, %dma_wait3A_52] : memref<512x512xf32, #tpu.memory_space<hbm>> -> memref<24x512xf32, #tpu.memory_space<hbm>>
        %dma_wait3A_54 = tpu.memref_reshape %arg4 : memref<24x8x512xf32, #tpu.memory_space<vmem>> -> memref<8x24x512xf32, #tpu.memory_space<vmem>>
        %dma_wait3A_55 = arith.constant 0 : i32
        %dma_wait3A_56 = arith.constant 0 : i32
        %dma_wait3A_57 = tpu.memref_slice %dma_wait3A_54[%run_scoped3A_27, %dma_wait3A_55, %dma_wait3A_56] : memref<8x24x512xf32, #tpu.memory_space<vmem>> -> memref<1x24x512xf32, #tpu.memory_space<vmem>>
        %dma_wait3A_58 = tpu.memref_squeeze %dma_wait3A_57 : memref<1x24x512xf32, #tpu.memory_space<vmem>> -> memref<24x512xf32, #tpu.memory_space<vmem>>
        %dma_wait3A_59 = arith.constant 0 : i32
        %dma_wait3A_60 = tpu.memref_slice %arg2[%multiple_of3A, %dma_wait3A_59] : memref<512x512xf32, #tpu.memory_space<hbm>> -> memref<24x512xf32, #tpu.memory_space<hbm>>
        tpu.wait_dma2 semaphore(%run_scoped3A_34 : memref<!tpu.dma_semaphore, #tpu.memory_space<semaphore_mem>>) src(%dma_wait3A_60 : memref<24x512xf32, #tpu.memory_space<hbm>>) dst(%dma_wait3A_58 : memref<24x512xf32, #tpu.memory_space<vmem>>)
        tpu.yield
      }) : () -> ()
      %run_scoped3A_28 = arith.constant 2 : i32
      "tpu.region"() ({
        %run_scoped3A_34 = tpu.sem_alloc : memref<!tpu.dma_semaphore, #tpu.memory_space<semaphore_mem>>
        %dma_start3A = tpu.memref_reshape %arg4 : memref<24x8x512xf32, #tpu.memory_space<vmem>> -> memref<8x24x512xf32, #tpu.memory_space<vmem>>
        %dma_start3A_35 = arith.constant 0 : i32
        %dma_start3A_36 = arith.constant 0 : i32
        %dma_start3A_37 = tpu.memref_slice %dma_start3A[%run_scoped3A_28, %dma_start3A_35, %dma_start3A_36] : memref<8x24x512xf32, #tpu.memory_space<vmem>> -> memref<1x24x512xf32, #tpu.memory_space<vmem>>
        %dma_start3A_38 = tpu.memref_squeeze %dma_start3A_37 : memref<1x24x512xf32, #tpu.memory_space<vmem>> -> memref<24x512xf32, #tpu.memory_space<vmem>>
        %dma_start3A_39 = arith.constant 0 : i32
        %dma_start3A_40 = tpu.memref_slice %arg2[%multiple_of3A, %dma_start3A_39] : memref<512x512xf32, #tpu.memory_space<hbm>> -> memref<24x512xf32, #tpu.memory_space<hbm>>
        %dma_start3A_41 = tpu.memref_reshape %arg4 : memref<24x8x512xf32, #tpu.memory_space<vmem>> -> memref<8x24x512xf32, #tpu.memory_space<vmem>>
        %dma_start3A_42 = arith.constant 0 : i32
        %dma_start3A_43 = arith.constant 0 : i32
        %dma_start3A_44 = tpu.memref_slice %dma_start3A_41[%run_scoped3A_28, %dma_start3A_42, %dma_start3A_43] : memref<8x24x512xf32, #tpu.memory_space<vmem>> -> memref<1x24x512xf32, #tpu.memory_space<vmem>>
        %dma_start3A_45 = tpu.memref_squeeze %dma_start3A_44 : memref<1x24x512xf32, #tpu.memory_space<vmem>> -> memref<24x512xf32, #tpu.memory_space<vmem>>
        %dma_start3A_46 = arith.constant 0 : i32
        %dma_start3A_47 = tpu.memref_slice %arg2[%multiple_of3A, %dma_start3A_46] : memref<512x512xf32, #tpu.memory_space<hbm>> -> memref<24x512xf32, #tpu.memory_space<hbm>>
        tpu.enqueue_dma source(%dma_start3A_47 : memref<24x512xf32, #tpu.memory_space<hbm>>) target(%dma_start3A_45 : memref<24x512xf32, #tpu.memory_space<vmem>>) target_semaphore(%run_scoped3A_34 : memref<!tpu.dma_semaphore, #tpu.memory_space<semaphore_mem>>)
        %dma_wait3A = tpu.memref_reshape %arg4 : memref<24x8x512xf32, #tpu.memory_space<vmem>> -> memref<8x24x512xf32, #tpu.memory_space<vmem>>
        %dma_wait3A_48 = arith.constant 0 : i32
        %dma_wait3A_49 = arith.constant 0 : i32
        %dma_wait3A_50 = tpu.memref_slice %dma_wait3A[%run_scoped3A_28, %dma_wait3A_48, %dma_wait3A_49] : memref<8x24x512xf32, #tpu.memory_space<vmem>> -> memref<1x24x512xf32, #tpu.memory_space<vmem>>
        %dma_wait3A_51 = tpu.memref_squeeze %dma_wait3A_50 : memref<1x24x512xf32, #tpu.memory_space<vmem>> -> memref<24x512xf32, #tpu.memory_space<vmem>>
        %dma_wait3A_52 = arith.constant 0 : i32
        %dma_wait3A_53 = tpu.memref_slice %arg2[%multiple_of3A, %dma_wait3A_52] : memref<512x512xf32, #tpu.memory_space<hbm>> -> memref<24x512xf32, #tpu.memory_space<hbm>>
        %dma_wait3A_54 = tpu.memref_reshape %arg4 : memref<24x8x512xf32, #tpu.memory_space<vmem>> -> memref<8x24x512xf32, #tpu.memory_space<vmem>>
        %dma_wait3A_55 = arith.constant 0 : i32
        %dma_wait3A_56 = arith.constant 0 : i32
        %dma_wait3A_57 = tpu.memref_slice %dma_wait3A_54[%run_scoped3A_28, %dma_wait3A_55, %dma_wait3A_56] : memref<8x24x512xf32, #tpu.memory_space<vmem>> -> memref<1x24x512xf32, #tpu.memory_space<vmem>>
        %dma_wait3A_58 = tpu.memref_squeeze %dma_wait3A_57 : memref<1x24x512xf32, #tpu.memory_space<vmem>> -> memref<24x512xf32, #tpu.memory_space<vmem>>
        %dma_wait3A_59 = arith.constant 0 : i32
        %dma_wait3A_60 = tpu.memref_slice %arg2[%multiple_of3A, %dma_wait3A_59] : memref<512x512xf32, #tpu.memory_space<hbm>> -> memref<24x512xf32, #tpu.memory_space<hbm>>
        tpu.wait_dma2 semaphore(%run_scoped3A_34 : memref<!tpu.dma_semaphore, #tpu.memory_space<semaphore_mem>>) src(%dma_wait3A_60 : memref<24x512xf32, #tpu.memory_space<hbm>>) dst(%dma_wait3A_58 : memref<24x512xf32, #tpu.memory_space<vmem>>)
        tpu.yield
      }) : () -> ()
      %run_scoped3A_29 = arith.constant 3 : i32
      "tpu.region"() ({
        %run_scoped3A_34 = tpu.sem_alloc : memref<!tpu.dma_semaphore, #tpu.memory_space<semaphore_mem>>
        %dma_start3A = tpu.memref_reshape %arg4 : memref<24x8x512xf32, #tpu.memory_space<vmem>> -> memref<8x24x512xf32, #tpu.memory_space<vmem>>
        %dma_start3A_35 = arith.constant 0 : i32
        %dma_start3A_36 = arith.constant 0 : i32
        %dma_start3A_37 = tpu.memref_slice %dma_start3A[%run_scoped3A_29, %dma_start3A_35, %dma_start3A_36] : memref<8x24x512xf32, #tpu.memory_space<vmem>> -> memref<1x24x512xf32, #tpu.memory_space<vmem>>
        %dma_start3A_38 = tpu.memref_squeeze %dma_start3A_37 : memref<1x24x512xf32, #tpu.memory_space<vmem>> -> memref<24x512xf32, #tpu.memory_space<vmem>>
        %dma_start3A_39 = arith.constant 0 : i32
        %dma_start3A_40 = tpu.memref_slice %arg2[%multiple_of3A, %dma_start3A_39] : memref<512x512xf32, #tpu.memory_space<hbm>> -> memref<24x512xf32, #tpu.memory_space<hbm>>
        %dma_start3A_41 = tpu.memref_reshape %arg4 : memref<24x8x512xf32, #tpu.memory_space<vmem>> -> memref<8x24x512xf32, #tpu.memory_space<vmem>>
        %dma_start3A_42 = arith.constant 0 : i32
        %dma_start3A_43 = arith.constant 0 : i32
        %dma_start3A_44 = tpu.memref_slice %dma_start3A_41[%run_scoped3A_29, %dma_start3A_42, %dma_start3A_43] : memref<8x24x512xf32, #tpu.memory_space<vmem>> -> memref<1x24x512xf32, #tpu.memory_space<vmem>>
        %dma_start3A_45 = tpu.memref_squeeze %dma_start3A_44 : memref<1x24x512xf32, #tpu.memory_space<vmem>> -> memref<24x512xf32, #tpu.memory_space<vmem>>
        %dma_start3A_46 = arith.constant 0 : i32
        %dma_start3A_47 = tpu.memref_slice %arg2[%multiple_of3A, %dma_start3A_46] : memref<512x512xf32, #tpu.memory_space<hbm>> -> memref<24x512xf32, #tpu.memory_space<hbm>>
        tpu.enqueue_dma source(%dma_start3A_47 : memref<24x512xf32, #tpu.memory_space<hbm>>) target(%dma_start3A_45 : memref<24x512xf32, #tpu.memory_space<vmem>>) target_semaphore(%run_scoped3A_34 : memref<!tpu.dma_semaphore, #tpu.memory_space<semaphore_mem>>)
        %dma_wait3A = tpu.memref_reshape %arg4 : memref<24x8x512xf32, #tpu.memory_space<vmem>> -> memref<8x24x512xf32, #tpu.memory_space<vmem>>
        %dma_wait3A_48 = arith.constant 0 : i32
        %dma_wait3A_49 = arith.constant 0 : i32
        %dma_wait3A_50 = tpu.memref_slice %dma_wait3A[%run_scoped3A_29, %dma_wait3A_48, %dma_wait3A_49] : memref<8x24x512xf32, #tpu.memory_space<vmem>> -> memref<1x24x512xf32, #tpu.memory_space<vmem>>
        %dma_wait3A_51 = tpu.memref_squeeze %dma_wait3A_50 : memref<1x24x512xf32, #tpu.memory_space<vmem>> -> memref<24x512xf32, #tpu.memory_space<vmem>>
        %dma_wait3A_52 = arith.constant 0 : i32
        %dma_wait3A_53 = tpu.memref_slice %arg2[%multiple_of3A, %dma_wait3A_52] : memref<512x512xf32, #tpu.memory_space<hbm>> -> memref<24x512xf32, #tpu.memory_space<hbm>>
        %dma_wait3A_54 = tpu.memref_reshape %arg4 : memref<24x8x512xf32, #tpu.memory_space<vmem>> -> memref<8x24x512xf32, #tpu.memory_space<vmem>>
        %dma_wait3A_55 = arith.constant 0 : i32
        %dma_wait3A_56 = arith.constant 0 : i32
        %dma_wait3A_57 = tpu.memref_slice %dma_wait3A_54[%run_scoped3A_29, %dma_wait3A_55, %dma_wait3A_56] : memref<8x24x512xf32, #tpu.memory_space<vmem>> -> memref<1x24x512xf32, #tpu.memory_space<vmem>>
        %dma_wait3A_58 = tpu.memref_squeeze %dma_wait3A_57 : memref<1x24x512xf32, #tpu.memory_space<vmem>> -> memref<24x512xf32, #tpu.memory_space<vmem>>
        %dma_wait3A_59 = arith.constant 0 : i32
        %dma_wait3A_60 = tpu.memref_slice %arg2[%multiple_of3A, %dma_wait3A_59] : memref<512x512xf32, #tpu.memory_space<hbm>> -> memref<24x512xf32, #tpu.memory_space<hbm>>
        tpu.wait_dma2 semaphore(%run_scoped3A_34 : memref<!tpu.dma_semaphore, #tpu.memory_space<semaphore_mem>>) src(%dma_wait3A_60 : memref<24x512xf32, #tpu.memory_space<hbm>>) dst(%dma_wait3A_58 : memref<24x512xf32, #tpu.memory_space<vmem>>)
        tpu.yield
      }) : () -> ()
      %run_scoped3A_30 = arith.constant 4 : i32
      "tpu.region"() ({
        %run_scoped3A_34 = tpu.sem_alloc : memref<!tpu.dma_semaphore, #tpu.memory_space<semaphore_mem>>
        %dma_start3A = tpu.memref_reshape %arg4 : memref<24x8x512xf32, #tpu.memory_space<vmem>> -> memref<8x24x512xf32, #tpu.memory_space<vmem>>
        %dma_start3A_35 = arith.constant 0 : i32
        %dma_start3A_36 = arith.constant 0 : i32
        %dma_start3A_37 = tpu.memref_slice %dma_start3A[%run_scoped3A_30, %dma_start3A_35, %dma_start3A_36] : memref<8x24x512xf32, #tpu.memory_space<vmem>> -> memref<1x24x512xf32, #tpu.memory_space<vmem>>
        %dma_start3A_38 = tpu.memref_squeeze %dma_start3A_37 : memref<1x24x512xf32, #tpu.memory_space<vmem>> -> memref<24x512xf32, #tpu.memory_space<vmem>>
        %dma_start3A_39 = arith.constant 0 : i32
        %dma_start3A_40 = tpu.memref_slice %arg2[%multiple_of3A, %dma_start3A_39] : memref<512x512xf32, #tpu.memory_space<hbm>> -> memref<24x512xf32, #tpu.memory_space<hbm>>
        %dma_start3A_41 = tpu.memref_reshape %arg4 : memref<24x8x512xf32, #tpu.memory_space<vmem>> -> memref<8x24x512xf32, #tpu.memory_space<vmem>>
        %dma_start3A_42 = arith.constant 0 : i32
        %dma_start3A_43 = arith.constant 0 : i32
        %dma_start3A_44 = tpu.memref_slice %dma_start3A_41[%run_scoped3A_30, %dma_start3A_42, %dma_start3A_43] : memref<8x24x512xf32, #tpu.memory_space<vmem>> -> memref<1x24x512xf32, #tpu.memory_space<vmem>>
        %dma_start3A_45 = tpu.memref_squeeze %dma_start3A_44 : memref<1x24x512xf32, #tpu.memory_space<vmem>> -> memref<24x512xf32, #tpu.memory_space<vmem>>
        %dma_start3A_46 = arith.constant 0 : i32
        %dma_start3A_47 = tpu.memref_slice %arg2[%multiple_of3A, %dma_start3A_46] : memref<512x512xf32, #tpu.memory_space<hbm>> -> memref<24x512xf32, #tpu.memory_space<hbm>>
        tpu.enqueue_dma source(%dma_start3A_47 : memref<24x512xf32, #tpu.memory_space<hbm>>) target(%dma_start3A_45 : memref<24x512xf32, #tpu.memory_space<vmem>>) target_semaphore(%run_scoped3A_34 : memref<!tpu.dma_semaphore, #tpu.memory_space<semaphore_mem>>)
        %dma_wait3A = tpu.memref_reshape %arg4 : memref<24x8x512xf32, #tpu.memory_space<vmem>> -> memref<8x24x512xf32, #tpu.memory_space<vmem>>
        %dma_wait3A_48 = arith.constant 0 : i32
        %dma_wait3A_49 = arith.constant 0 : i32
        %dma_wait3A_50 = tpu.memref_slice %dma_wait3A[%run_scoped3A_30, %dma_wait3A_48, %dma_wait3A_49] : memref<8x24x512xf32, #tpu.memory_space<vmem>> -> memref<1x24x512xf32, #tpu.memory_space<vmem>>
        %dma_wait3A_51 = tpu.memref_squeeze %dma_wait3A_50 : memref<1x24x512xf32, #tpu.memory_space<vmem>> -> memref<24x512xf32, #tpu.memory_space<vmem>>
        %dma_wait3A_52 = arith.constant 0 : i32
        %dma_wait3A_53 = tpu.memref_slice %arg2[%multiple_of3A, %dma_wait3A_52] : memref<512x512xf32, #tpu.memory_space<hbm>> -> memref<24x512xf32, #tpu.memory_space<hbm>>
        %dma_wait3A_54 = tpu.memref_reshape %arg4 : memref<24x8x512xf32, #tpu.memory_space<vmem>> -> memref<8x24x512xf32, #tpu.memory_space<vmem>>
        %dma_wait3A_55 = arith.constant 0 : i32
        %dma_wait3A_56 = arith.constant 0 : i32
        %dma_wait3A_57 = tpu.memref_slice %dma_wait3A_54[%run_scoped3A_30, %dma_wait3A_55, %dma_wait3A_56] : memref<8x24x512xf32, #tpu.memory_space<vmem>> -> memref<1x24x512xf32, #tpu.memory_space<vmem>>
        %dma_wait3A_58 = tpu.memref_squeeze %dma_wait3A_57 : memref<1x24x512xf32, #tpu.memory_space<vmem>> -> memref<24x512xf32, #tpu.memory_space<vmem>>
        %dma_wait3A_59 = arith.constant 0 : i32
        %dma_wait3A_60 = tpu.memref_slice %arg2[%multiple_of3A, %dma_wait3A_59] : memref<512x512xf32, #tpu.memory_space<hbm>> -> memref<24x512xf32, #tpu.memory_space<hbm>>
        tpu.wait_dma2 semaphore(%run_scoped3A_34 : memref<!tpu.dma_semaphore, #tpu.memory_space<semaphore_mem>>) src(%dma_wait3A_60 : memref<24x512xf32, #tpu.memory_space<hbm>>) dst(%dma_wait3A_58 : memref<24x512xf32, #tpu.memory_space<vmem>>)
        tpu.yield
      }) : () -> ()
      %run_scoped3A_31 = arith.constant 5 : i32
      "tpu.region"() ({
        %run_scoped3A_34 = tpu.sem_alloc : memref<!tpu.dma_semaphore, #tpu.memory_space<semaphore_mem>>
        %dma_start3A = tpu.memref_reshape %arg4 : memref<24x8x512xf32, #tpu.memory_space<vmem>> -> memref<8x24x512xf32, #tpu.memory_space<vmem>>
        %dma_start3A_35 = arith.constant 0 : i32
        %dma_start3A_36 = arith.constant 0 : i32
        %dma_start3A_37 = tpu.memref_slice %dma_start3A[%run_scoped3A_31, %dma_start3A_35, %dma_start3A_36] : memref<8x24x512xf32, #tpu.memory_space<vmem>> -> memref<1x24x512xf32, #tpu.memory_space<vmem>>
        %dma_start3A_38 = tpu.memref_squeeze %dma_start3A_37 : memref<1x24x512xf32, #tpu.memory_space<vmem>> -> memref<24x512xf32, #tpu.memory_space<vmem>>
        %dma_start3A_39 = arith.constant 0 : i32
        %dma_start3A_40 = tpu.memref_slice %arg2[%multiple_of3A, %dma_start3A_39] : memref<512x512xf32, #tpu.memory_space<hbm>> -> memref<24x512xf32, #tpu.memory_space<hbm>>
        %dma_start3A_41 = tpu.memref_reshape %arg4 : memref<24x8x512xf32, #tpu.memory_space<vmem>> -> memref<8x24x512xf32, #tpu.memory_space<vmem>>
        %dma_start3A_42 = arith.constant 0 : i32
        %dma_start3A_43 = arith.constant 0 : i32
        %dma_start3A_44 = tpu.memref_slice %dma_start3A_41[%run_scoped3A_31, %dma_start3A_42, %dma_start3A_43] : memref<8x24x512xf32, #tpu.memory_space<vmem>> -> memref<1x24x512xf32, #tpu.memory_space<vmem>>
        %dma_start3A_45 = tpu.memref_squeeze %dma_start3A_44 : memref<1x24x512xf32, #tpu.memory_space<vmem>> -> memref<24x512xf32, #tpu.memory_space<vmem>>
        %dma_start3A_46 = arith.constant 0 : i32
        %dma_start3A_47 = tpu.memref_slice %arg2[%multiple_of3A, %dma_start3A_46] : memref<512x512xf32, #tpu.memory_space<hbm>> -> memref<24x512xf32, #tpu.memory_space<hbm>>
        tpu.enqueue_dma source(%dma_start3A_47 : memref<24x512xf32, #tpu.memory_space<hbm>>) target(%dma_start3A_45 : memref<24x512xf32, #tpu.memory_space<vmem>>) target_semaphore(%run_scoped3A_34 : memref<!tpu.dma_semaphore, #tpu.memory_space<semaphore_mem>>)
        %dma_wait3A = tpu.memref_reshape %arg4 : memref<24x8x512xf32, #tpu.memory_space<vmem>> -> memref<8x24x512xf32, #tpu.memory_space<vmem>>
        %dma_wait3A_48 = arith.constant 0 : i32
        %dma_wait3A_49 = arith.constant 0 : i32
        %dma_wait3A_50 = tpu.memref_slice %dma_wait3A[%run_scoped3A_31, %dma_wait3A_48, %dma_wait3A_49] : memref<8x24x512xf32, #tpu.memory_space<vmem>> -> memref<1x24x512xf32, #tpu.memory_space<vmem>>
        %dma_wait3A_51 = tpu.memref_squeeze %dma_wait3A_50 : memref<1x24x512xf32, #tpu.memory_space<vmem>> -> memref<24x512xf32, #tpu.memory_space<vmem>>
        %dma_wait3A_52 = arith.constant 0 : i32
        %dma_wait3A_53 = tpu.memref_slice %arg2[%multiple_of3A, %dma_wait3A_52] : memref<512x512xf32, #tpu.memory_space<hbm>> -> memref<24x512xf32, #tpu.memory_space<hbm>>
        %dma_wait3A_54 = tpu.memref_reshape %arg4 : memref<24x8x512xf32, #tpu.memory_space<vmem>> -> memref<8x24x512xf32, #tpu.memory_space<vmem>>
        %dma_wait3A_55 = arith.constant 0 : i32
        %dma_wait3A_56 = arith.constant 0 : i32
        %dma_wait3A_57 = tpu.memref_slice %dma_wait3A_54[%run_scoped3A_31, %dma_wait3A_55, %dma_wait3A_56] : memref<8x24x512xf32, #tpu.memory_space<vmem>> -> memref<1x24x512xf32, #tpu.memory_space<vmem>>
        %dma_wait3A_58 = tpu.memref_squeeze %dma_wait3A_57 : memref<1x24x512xf32, #tpu.memory_space<vmem>> -> memref<24x512xf32, #tpu.memory_space<vmem>>
        %dma_wait3A_59 = arith.constant 0 : i32
        %dma_wait3A_60 = tpu.memref_slice %arg2[%multiple_of3A, %dma_wait3A_59] : memref<512x512xf32, #tpu.memory_space<hbm>> -> memref<24x512xf32, #tpu.memory_space<hbm>>
        tpu.wait_dma2 semaphore(%run_scoped3A_34 : memref<!tpu.dma_semaphore, #tpu.memory_space<semaphore_mem>>) src(%dma_wait3A_60 : memref<24x512xf32, #tpu.memory_space<hbm>>) dst(%dma_wait3A_58 : memref<24x512xf32, #tpu.memory_space<vmem>>)
        tpu.yield
      }) : () -> ()
      %run_scoped3A_32 = arith.constant 6 : i32
      "tpu.region"() ({
        %run_scoped3A_34 = tpu.sem_alloc : memref<!tpu.dma_semaphore, #tpu.memory_space<semaphore_mem>>
        %dma_start3A = tpu.memref_reshape %arg4 : memref<24x8x512xf32, #tpu.memory_space<vmem>> -> memref<8x24x512xf32, #tpu.memory_space<vmem>>
        %dma_start3A_35 = arith.constant 0 : i32
        %dma_start3A_36 = arith.constant 0 : i32
        %dma_start3A_37 = tpu.memref_slice %dma_start3A[%run_scoped3A_32, %dma_start3A_35, %dma_start3A_36] : memref<8x24x512xf32, #tpu.memory_space<vmem>> -> memref<1x24x512xf32, #tpu.memory_space<vmem>>
        %dma_start3A_38 = tpu.memref_squeeze %dma_start3A_37 : memref<1x24x512xf32, #tpu.memory_space<vmem>> -> memref<24x512xf32, #tpu.memory_space<vmem>>
        %dma_start3A_39 = arith.constant 0 : i32
        %dma_start3A_40 = tpu.memref_slice %arg2[%multiple_of3A, %dma_start3A_39] : memref<512x512xf32, #tpu.memory_space<hbm>> -> memref<24x512xf32, #tpu.memory_space<hbm>>
        %dma_start3A_41 = tpu.memref_reshape %arg4 : memref<24x8x512xf32, #tpu.memory_space<vmem>> -> memref<8x24x512xf32, #tpu.memory_space<vmem>>
        %dma_start3A_42 = arith.constant 0 : i32
        %dma_start3A_43 = arith.constant 0 : i32
        %dma_start3A_44 = tpu.memref_slice %dma_start3A_41[%run_scoped3A_32, %dma_start3A_42, %dma_start3A_43] : memref<8x24x512xf32, #tpu.memory_space<vmem>> -> memref<1x24x512xf32, #tpu.memory_space<vmem>>
        %dma_start3A_45 = tpu.memref_squeeze %dma_start3A_44 : memref<1x24x512xf32, #tpu.memory_space<vmem>> -> memref<24x512xf32, #tpu.memory_space<vmem>>
        %dma_start3A_46 = arith.constant 0 : i32
        %dma_start3A_47 = tpu.memref_slice %arg2[%multiple_of3A, %dma_start3A_46] : memref<512x512xf32, #tpu.memory_space<hbm>> -> memref<24x512xf32, #tpu.memory_space<hbm>>
        tpu.enqueue_dma source(%dma_start3A_47 : memref<24x512xf32, #tpu.memory_space<hbm>>) target(%dma_start3A_45 : memref<24x512xf32, #tpu.memory_space<vmem>>) target_semaphore(%run_scoped3A_34 : memref<!tpu.dma_semaphore, #tpu.memory_space<semaphore_mem>>)
        %dma_wait3A = tpu.memref_reshape %arg4 : memref<24x8x512xf32, #tpu.memory_space<vmem>> -> memref<8x24x512xf32, #tpu.memory_space<vmem>>
        %dma_wait3A_48 = arith.constant 0 : i32
        %dma_wait3A_49 = arith.constant 0 : i32
        %dma_wait3A_50 = tpu.memref_slice %dma_wait3A[%run_scoped3A_32, %dma_wait3A_48, %dma_wait3A_49] : memref<8x24x512xf32, #tpu.memory_space<vmem>> -> memref<1x24x512xf32, #tpu.memory_space<vmem>>
        %dma_wait3A_51 = tpu.memref_squeeze %dma_wait3A_50 : memref<1x24x512xf32, #tpu.memory_space<vmem>> -> memref<24x512xf32, #tpu.memory_space<vmem>>
        %dma_wait3A_52 = arith.constant 0 : i32
        %dma_wait3A_53 = tpu.memref_slice %arg2[%multiple_of3A, %dma_wait3A_52] : memref<512x512xf32, #tpu.memory_space<hbm>> -> memref<24x512xf32, #tpu.memory_space<hbm>>
        %dma_wait3A_54 = tpu.memref_reshape %arg4 : memref<24x8x512xf32, #tpu.memory_space<vmem>> -> memref<8x24x512xf32, #tpu.memory_space<vmem>>
        %dma_wait3A_55 = arith.constant 0 : i32
        %dma_wait3A_56 = arith.constant 0 : i32
        %dma_wait3A_57 = tpu.memref_slice %dma_wait3A_54[%run_scoped3A_32, %dma_wait3A_55, %dma_wait3A_56] : memref<8x24x512xf32, #tpu.memory_space<vmem>> -> memref<1x24x512xf32, #tpu.memory_space<vmem>>
        %dma_wait3A_58 = tpu.memref_squeeze %dma_wait3A_57 : memref<1x24x512xf32, #tpu.memory_space<vmem>> -> memref<24x512xf32, #tpu.memory_space<vmem>>
        %dma_wait3A_59 = arith.constant 0 : i32
        %dma_wait3A_60 = tpu.memref_slice %arg2[%multiple_of3A, %dma_wait3A_59] : memref<512x512xf32, #tpu.memory_space<hbm>> -> memref<24x512xf32, #tpu.memory_space<hbm>>
        tpu.wait_dma2 semaphore(%run_scoped3A_34 : memref<!tpu.dma_semaphore, #tpu.memory_space<semaphore_mem>>) src(%dma_wait3A_60 : memref<24x512xf32, #tpu.memory_space<hbm>>) dst(%dma_wait3A_58 : memref<24x512xf32, #tpu.memory_space<vmem>>)
        tpu.yield
      }) : () -> ()
      %run_scoped3A_33 = arith.constant 7 : i32
      "tpu.region"() ({
        %run_scoped3A_34 = tpu.sem_alloc : memref<!tpu.dma_semaphore, #tpu.memory_space<semaphore_mem>>
        %dma_start3A = tpu.memref_reshape %arg4 : memref<24x8x512xf32, #tpu.memory_space<vmem>> -> memref<8x24x512xf32, #tpu.memory_space<vmem>>
        %dma_start3A_35 = arith.constant 0 : i32
        %dma_start3A_36 = arith.constant 0 : i32
        %dma_start3A_37 = tpu.memref_slice %dma_start3A[%run_scoped3A_33, %dma_start3A_35, %dma_start3A_36] : memref<8x24x512xf32, #tpu.memory_space<vmem>> -> memref<1x24x512xf32, #tpu.memory_space<vmem>>
        %dma_start3A_38 = tpu.memref_squeeze %dma_start3A_37 : memref<1x24x512xf32, #tpu.memory_space<vmem>> -> memref<24x512xf32, #tpu.memory_space<vmem>>
        %dma_start3A_39 = arith.constant 0 : i32
        %dma_start3A_40 = tpu.memref_slice %arg2[%multiple_of3A, %dma_start3A_39] : memref<512x512xf32, #tpu.memory_space<hbm>> -> memref<24x512xf32, #tpu.memory_space<hbm>>
        %dma_start3A_41 = tpu.memref_reshape %arg4 : memref<24x8x512xf32, #tpu.memory_space<vmem>> -> memref<8x24x512xf32, #tpu.memory_space<vmem>>
        %dma_start3A_42 = arith.constant 0 : i32
        %dma_start3A_43 = arith.constant 0 : i32
        %dma_start3A_44 = tpu.memref_slice %dma_start3A_41[%run_scoped3A_33, %dma_start3A_42, %dma_start3A_43] : memref<8x24x512xf32, #tpu.memory_space<vmem>> -> memref<1x24x512xf32, #tpu.memory_space<vmem>>
        %dma_start3A_45 = tpu.memref_squeeze %dma_start3A_44 : memref<1x24x512xf32, #tpu.memory_space<vmem>> -> memref<24x512xf32, #tpu.memory_space<vmem>>
        %dma_start3A_46 = arith.constant 0 : i32
        %dma_start3A_47 = tpu.memref_slice %arg2[%multiple_of3A, %dma_start3A_46] : memref<512x512xf32, #tpu.memory_space<hbm>> -> memref<24x512xf32, #tpu.memory_space<hbm>>
        tpu.enqueue_dma source(%dma_start3A_47 : memref<24x512xf32, #tpu.memory_space<hbm>>) target(%dma_start3A_45 : memref<24x512xf32, #tpu.memory_space<vmem>>) target_semaphore(%run_scoped3A_34 : memref<!tpu.dma_semaphore, #tpu.memory_space<semaphore_mem>>)
        %dma_wait3A = tpu.memref_reshape %arg4 : memref<24x8x512xf32, #tpu.memory_space<vmem>> -> memref<8x24x512xf32, #tpu.memory_space<vmem>>
        %dma_wait3A_48 = arith.constant 0 : i32
        %dma_wait3A_49 = arith.constant 0 : i32
        %dma_wait3A_50 = tpu.memref_slice %dma_wait3A[%run_scoped3A_33, %dma_wait3A_48, %dma_wait3A_49] : memref<8x24x512xf32, #tpu.memory_space<vmem>> -> memref<1x24x512xf32, #tpu.memory_space<vmem>>
        %dma_wait3A_51 = tpu.memref_squeeze %dma_wait3A_50 : memref<1x24x512xf32, #tpu.memory_space<vmem>> -> memref<24x512xf32, #tpu.memory_space<vmem>>
        %dma_wait3A_52 = arith.constant 0 : i32
        %dma_wait3A_53 = tpu.memref_slice %arg2[%multiple_of3A, %dma_wait3A_52] : memref<512x512xf32, #tpu.memory_space<hbm>> -> memref<24x512xf32, #tpu.memory_space<hbm>>
        %dma_wait3A_54 = tpu.memref_reshape %arg4 : memref<24x8x512xf32, #tpu.memory_space<vmem>> -> memref<8x24x512xf32, #tpu.memory_space<vmem>>
        %dma_wait3A_55 = arith.constant 0 : i32
        %dma_wait3A_56 = arith.constant 0 : i32
        %dma_wait3A_57 = tpu.memref_slice %dma_wait3A_54[%run_scoped3A_33, %dma_wait3A_55, %dma_wait3A_56] : memref<8x24x512xf32, #tpu.memory_space<vmem>> -> memref<1x24x512xf32, #tpu.memory_space<vmem>>
        %dma_wait3A_58 = tpu.memref_squeeze %dma_wait3A_57 : memref<1x24x512xf32, #tpu.memory_space<vmem>> -> memref<24x512xf32, #tpu.memory_space<vmem>>
        %dma_wait3A_59 = arith.constant 0 : i32
        %dma_wait3A_60 = tpu.memref_slice %arg2[%multiple_of3A, %dma_wait3A_59] : memref<512x512xf32, #tpu.memory_space<hbm>> -> memref<24x512xf32, #tpu.memory_space<hbm>>
        tpu.wait_dma2 semaphore(%run_scoped3A_34 : memref<!tpu.dma_semaphore, #tpu.memory_space<semaphore_mem>>) src(%dma_wait3A_60 : memref<24x512xf32, #tpu.memory_space<hbm>>) dst(%dma_wait3A_58 : memref<24x512xf32, #tpu.memory_space<vmem>>)
        tpu.yield
      }) : () -> ()
    } else {
    }
    %convert_element_type3A_19 = arith.extui %lt3A_1 : i1 to i32
    %cond3A_20 = arith.constant 0 : i32
    %cond3A_21 = arith.cmpi ne, %convert_element_type3A_19, %cond3A_20 : i32
    scf.if %cond3A_21 {
      %scan3A = arith.constant 0 : i32
      %scan3A_27 = arith.constant 48 : i32
      %scan3A_28 = arith.addi %scan3A, %scan3A_27 : i32
      %scan3A_29 = arith.constant 1 : i32
      scf.for %scan3A_36 = %scan3A to %scan3A_28 step %scan3A_29  : i32 {
        %mul3A_37 = arith.constant 1 : i32
        %mul3A_38 = arith.muli %scan3A_36, %mul3A_37 : i32
        %add3A_39 = arith.constant 0 : i32
        %add3A_40 = arith.addi %add3A_39, %mul3A_38 : i32
        %mul3A_41 = arith.constant 8 : i32
        %mul3A_42 = arith.muli %add3A_40, %mul3A_41 : i32
        %multiple_of3A_43 = tpu.assume_multiple %mul3A_42, 8 : i32
        %dma_start3A = arith.constant 0 : i32
        %dma_start3A_44 = tpu.memref_slice %arg3[%multiple_of3A, %multiple_of3A_43, %dma_start3A] : memref<384x384x1024xf32, #tpu.memory_space<hbm>> -> memref<24x8x512xf32, #tpu.memory_space<hbm>>
        %dma_start3A_45 = arith.constant 0 : i32
        %dma_start3A_46 = tpu.memref_slice %arg3[%multiple_of3A, %multiple_of3A_43, %dma_start3A_45] : memref<384x384x1024xf32, #tpu.memory_space<hbm>> -> memref<24x8x512xf32, #tpu.memory_space<hbm>>
        tpu.enqueue_dma source(%arg4 : memref<24x8x512xf32, #tpu.memory_space<vmem>>) target(%dma_start3A_46 : memref<24x8x512xf32, #tpu.memory_space<hbm>>) target_semaphore(%arg5 : memref<!tpu.dma_semaphore, #tpu.memory_space<semaphore_mem>>)
      }
      %scan3A_30 = arith.constant 48 : i32
      %scan3A_31 = arith.constant 0 : i32
      %scan3A_32 = arith.constant 48 : i32
      %scan3A_33 = arith.addi %scan3A_31, %scan3A_32 : i32
      %scan3A_34 = arith.constant 1 : i32
      scf.for %scan3A_36 = %scan3A_31 to %scan3A_33 step %scan3A_34  : i32 {
        %mul3A_37 = arith.constant 1 : i32
        %mul3A_38 = arith.muli %scan3A_36, %mul3A_37 : i32
        %add3A_39 = arith.constant 0 : i32
        %add3A_40 = arith.addi %add3A_39, %mul3A_38 : i32
        %dma_wait3A = arith.constant 0 : i32
        %dma_wait3A_41 = arith.constant 0 : i32
        %dma_wait3A_42 = tpu.memref_slice %arg3[%multiple_of3A, %dma_wait3A, %dma_wait3A_41] : memref<384x384x1024xf32, #tpu.memory_space<hbm>> -> memref<24x8x512xf32, #tpu.memory_space<hbm>>
        %dma_wait3A_43 = arith.constant 0 : i32
        %dma_wait3A_44 = arith.constant 0 : i32
        %dma_wait3A_45 = tpu.memref_slice %arg3[%multiple_of3A, %dma_wait3A_43, %dma_wait3A_44] : memref<384x384x1024xf32, #tpu.memory_space<hbm>> -> memref<24x8x512xf32, #tpu.memory_space<hbm>>
        tpu.wait_dma2 semaphore(%arg5 : memref<!tpu.dma_semaphore, #tpu.memory_space<semaphore_mem>>) src(%arg4 : memref<24x8x512xf32, #tpu.memory_space<vmem>>) dst(%dma_wait3A_45 : memref<24x8x512xf32, #tpu.memory_space<hbm>>)
      }
      %scan3A_35 = arith.constant 48 : i32
    } else {
    }
    %not3A_22 = arith.constant true
    %not3A_23 = arith.xori %lt3A_1, %not3A_22 : i1
    %convert_element_type3A_24 = arith.extui %not3A_23 : i1 to i32
    %cond3A_25 = arith.constant 0 : i32
    %cond3A_26 = arith.cmpi ne, %convert_element_type3A_24, %cond3A_25 : i32
    scf.if %cond3A_26 {
      %scan3A = arith.constant 0 : i32
      %scan3A_27 = arith.constant 48 : i32
      %scan3A_28 = arith.addi %scan3A, %scan3A_27 : i32
      %scan3A_29 = arith.constant 1 : i32
      scf.for %scan3A_36 = %scan3A to %scan3A_28 step %scan3A_29  : i32 {
        %mul3A_37 = arith.constant 1 : i32
        %mul3A_38 = arith.muli %scan3A_36, %mul3A_37 : i32
        %add3A_39 = arith.constant 0 : i32
        %add3A_40 = arith.addi %add3A_39, %mul3A_38 : i32
        %mul3A_41 = arith.constant 8 : i32
        %mul3A_42 = arith.muli %add3A_40, %mul3A_41 : i32
        %multiple_of3A_43 = tpu.assume_multiple %mul3A_42, 8 : i32
        %dma_start3A = tpu.memref_reshape %arg4 : memref<24x8x512xf32, #tpu.memory_space<vmem>> -> memref<8x24x512xf32, #tpu.memory_space<vmem>>
        %dma_start3A_44 = arith.constant 512 : i32
        %dma_start3A_45 = tpu.memref_slice %arg3[%multiple_of3A_43, %multiple_of3A, %dma_start3A_44] : memref<384x384x1024xf32, #tpu.memory_space<hbm>> -> memref<8x24x512xf32, #tpu.memory_space<hbm>>
        %dma_start3A_46 = arith.constant 512 : i32
        %dma_start3A_47 = tpu.memref_slice %arg3[%multiple_of3A_43, %multiple_of3A, %dma_start3A_46] : memref<384x384x1024xf32, #tpu.memory_space<hbm>> -> memref<8x24x512xf32, #tpu.memory_space<hbm>>
        %dma_start3A_48 = tpu.memref_reshape %arg4 : memref<24x8x512xf32, #tpu.memory_space<vmem>> -> memref<8x24x512xf32, #tpu.memory_space<vmem>>
        tpu.enqueue_dma source(%dma_start3A_48 : memref<8x24x512xf32, #tpu.memory_space<vmem>>) target(%dma_start3A_47 : memref<8x24x512xf32, #tpu.memory_space<hbm>>) target_semaphore(%arg5 : memref<!tpu.dma_semaphore, #tpu.memory_space<semaphore_mem>>)
      }
      %scan3A_30 = arith.constant 48 : i32
      %scan3A_31 = arith.constant 0 : i32
      %scan3A_32 = arith.constant 48 : i32
      %scan3A_33 = arith.addi %scan3A_31, %scan3A_32 : i32
      %scan3A_34 = arith.constant 1 : i32
      scf.for %scan3A_36 = %scan3A_31 to %scan3A_33 step %scan3A_34  : i32 {
        %mul3A_37 = arith.constant 1 : i32
        %mul3A_38 = arith.muli %scan3A_36, %mul3A_37 : i32
        %add3A_39 = arith.constant 0 : i32
        %add3A_40 = arith.addi %add3A_39, %mul3A_38 : i32
        %dma_wait3A = tpu.memref_reshape %arg4 : memref<24x8x512xf32, #tpu.memory_space<vmem>> -> memref<8x24x512xf32, #tpu.memory_space<vmem>>
        %dma_wait3A_41 = arith.constant 0 : i32
        %dma_wait3A_42 = arith.constant 512 : i32
        %dma_wait3A_43 = tpu.memref_slice %arg3[%dma_wait3A_41, %multiple_of3A, %dma_wait3A_42] : memref<384x384x1024xf32, #tpu.memory_space<hbm>> -> memref<8x24x512xf32, #tpu.memory_space<hbm>>
        %dma_wait3A_44 = arith.constant 0 : i32
        %dma_wait3A_45 = arith.constant 512 : i32
        %dma_wait3A_46 = tpu.memref_slice %arg3[%dma_wait3A_44, %multiple_of3A, %dma_wait3A_45] : memref<384x384x1024xf32, #tpu.memory_space<hbm>> -> memref<8x24x512xf32, #tpu.memory_space<hbm>>
        %dma_wait3A_47 = tpu.memref_reshape %arg4 : memref<24x8x512xf32, #tpu.memory_space<vmem>> -> memref<8x24x512xf32, #tpu.memory_space<vmem>>
        tpu.wait_dma2 semaphore(%arg5 : memref<!tpu.dma_semaphore, #tpu.memory_space<semaphore_mem>>) src(%dma_wait3A_47 : memref<8x24x512xf32, #tpu.memory_space<vmem>>) dst(%dma_wait3A_46 : memref<8x24x512xf32, #tpu.memory_space<hbm>>)
      }
      %scan3A_35 = arith.constant 48 : i32
    } else {
    }
    return
  }
}

</mosaic_0001>

<sc_bundles>
// kernel: _positions.3.cloned.1.call-start
scs
__scs_entry_jumppad:
0x0: {  	(pc) =	sbr.rel $0x88, $3  }
0x1: {  	(tag) =	ssettag $0x0;
	lr =	simm.s32 $0x1  }
0x2: {  	[smem:$0x3FA0] =	sst lr;
	_ =	strace $0xD0000000  }
0x3: {  	_ = 	snop  }
0x4: {  	_ = 	snop  }
0x5: {  	_ = 	snop  }
0x6: {  	_ = 	snop  }
0x7: {  	_ = 	snop  }
__scs_overlays_trampoline_lowered:
0x8: {  	[smem:$0x3FAF] =	sst s0  }
0x9: {  	[smem:$0x3FB0] =	sst s1  }
0xa: {  	[smem:$0x3FB1] =	sst s2  }
0xb: {  	[smem:$0x3FB2] =	sst s3  }
0xc: {  	[smem:$0x3FB3] =	sst s4  }
0xd: {  	[smem:$0x3FB4] =	sst s5  }
0xe: {  	[smem:$0x3FB5] =	sst s6  }
0xf: {  	[smem:$0x3FB6] =	sst s7  }
0x10: {  	[smem:$0x3FB7] =	sst s8  }
0x11: {  	[smem:$0x3FB8] =	sst s9;
	s0 =	simm.s32 @!p0 $0x0  }
0x12: {  	s1 =	sld [smem:$0x3F9E];
	s0 =	simm.s32 @p0 $0x1  }
0x13: {  	[smem:$0x3FB9] =	sst s0;
	s0 =	simm.s32 @!p1 $0x0  }
0x14: {  	s2 =	sld [smem:$0x3F9D];
	s0 =	simm.s32 @p1 $0x1  }
0x15: {  	[smem:$0x3FBA] =	sst s0;
	s0 =	simm.s32 @!p2 $0x0  }
0x16: {  	s3 =	sld [smem:$0x3FDB];
	s0 =	simm.s32 @p2 $0x1  }
0x17: {  	s4 =	simm.s32 $0x1BF5;
	[smem:$0x3FBC] =	sst s0  }
0x18: {  	s0 =	sld [smem:$0x3F9F];
	_ =	swait.ge [sflag:s4], $0x0  }
0x19: {  	s7 =	sld [smem:$0x3FA0]  }
0x1a: {  	s8 =	sadd.s32 $0xFFFFE003, lr  }
0x1b: {  	s9 =	sadd.s32 $0xFFFFFEF7, lr;
	s5 =	simm.s32 $0xFFFFFFFF;
	p2 =	slt.u32 s8, $0xFFFFF086  }
0x1c: {  	p1 =	slt.u32 s9, $0xF7A;
	s5 =	simm.s32 @!p2 $0x0  }
0x1d: {  	s5 =	simm.s32 @p1 $0x1;
	p0 =	seq.s32 s7, s2  }
0x1e: {  	s7 =	smul.u32 @!p0 $0xF7A, s2;
	p2 =	seq.s32 @!p0 s5, $0x0  }
0x1f: {  	s9 =	smul.u32 $0xF7A, s1;
	s8 =	simm.s32 @!p0 $0x1BF5;
	p2 =	por !p2, p0  }
0x20: {  	[sflag:s8] =	ssyncset.s32 @!p0 $0xFFFFF086;
	s6 =	sadd.s32 @!p0 s3, s7;
	s7 =	simm.s32 @!p0 $0x108  }
0x21: {  	s3 =	sadd.s32 s3, s9;
	s6 =	sadd.s32 @!p0 $0x88, s6;
	s7 =	simm.s32 @p2 $0x1082  }
0x22: {  	[simem:s7], [sflag:s8] =	dma.local @!p0 [hbm:s6], $0xF7A  }
0x23: {  	s9 =	sor.u32 $0xD0000000, s2;
	s6 =	simm.s32 $0x108;
	_ =	swait.ge @!p0 [sflag:s8], $0x0  }
0x24: {  	s3 =	sadd.s32 $0x88, s3;
	s6 =	simm.s32 @!p1 $0x1082;
	[sflag:s4] =	ssyncset.s32 $0xFFFFF086  }
0x25: {  	[simem:s6], [sflag:s4] =	dma.local [hbm:s3], $0xF7A  }
0x26: {  	[smem:$0x3FA0] =	sst s1;
	(tag) =	ssettag s2;
	_ =	strace s9  }
0x27: {  	s1 =	sld [smem:$0x3FB0]  }
0x28: {  	s2 =	sld [smem:$0x3FB1]  }
0x29: {  	s4 =	sld [smem:$0x3FB3]  }
0x2a: {  	p0 =	seq.s32 s5, $0x0;
	s5 =	sld [smem:$0x3FB4]  }
0x2b: {  	s6 =	sld [smem:$0x3FB5]  }
0x2c: {  	s7 =	sld [smem:$0x3FB6]  }
0x2d: {  	s3 =	simm.s32 $0x108;
	s8 =	sld [smem:$0x3FB7]  }
0x2e: {  	s3 =	simm.s32 @!p0 $0x1082;
	s9 =	sld [smem:$0x3FB8]  }
0x2f: {  	lr =	sadd.s32 s0, s3;
	s0 =	sld [smem:$0x3FAF]  }
0x30: {  	s3 =	sld [smem:$0x3FB2]  }
0x31: {  	[smem:$0x3FBB] =	sst s10  }
0x32: {  	s10 =	sld [smem:$0x3FB9];
	_ =	sdelay $0x3  }
0x33: {  	p0 =	seq.s32 s10, $0x1;
	s10 =	sld [smem:$0x3FBB];
	_ =	sdelay $0x3  }
0x34: {  	[smem:$0x3FBB] =	sst s10  }
0x35: {  	s10 =	sld [smem:$0x3FBA];
	_ =	sdelay $0x3  }
0x36: {  	p1 =	seq.s32 s10, $0x1;
	s10 =	sld [smem:$0x3FBB];
	_ =	sdelay $0x3  }
0x37: {  	[smem:$0x3FBB] =	sst s10  }
0x38: {  	s10 =	sld [smem:$0x3FBC]  }
0x39: {  	_ = 	snop;
	(pc) =	sbr.ind lr, $3  }
0x3a: {  	_ = 	snop  }
0x3b: {  	_ = 	snop  }
0x3c: {  	p2 =	seq.s32 s10, $0x1;
	s10 =	sld [smem:$0x3FBB]  }
0x3d: {  	_ =	shalt  }
0x3e: {  	_ =	shalt  }
0x3f: {  	_ =	shalt  }
0x40: {  	_ =	shalt  }
0x41: {  	_ =	shalt  }
0x42: {  	_ =	shalt  }
0x43: {  	_ =	shalt  }
0x44: {  	_ =	shalt  }
0x45: {  	_ =	shalt  }
0x46: {  	_ =	shalt  }
0x47: {  	_ =	shalt  }
0x48: {  	_ =	shalt  }
0x49: {  	_ =	shalt  }
0x4a: {  	_ =	shalt  }
0x4b: {  	_ =	shalt  }
0x4c: {  	_ =	shalt  }
0x4d: {  	_ =	shalt  }
0x4e: {  	_ =	shalt  }
0x4f: {  	_ =	shalt  }
0x50: {  	_ =	shalt  }
0x51: {  	_ =	shalt  }
0x52: {  	_ =	shalt  }
0x53: {  	_ =	shalt  }
0x54: {  	_ =	shalt  }
0x55: {  	_ =	shalt  }
0x56: {  	_ =	shalt  }
0x57: {  	_ =	shalt  }
0x58: {  	_ =	shalt  }
0x59: {  	_ =	shalt  }
0x5a: {  	_ =	shalt  }
0x5b: {  	_ =	shalt  }
0x5c: {  	_ =	shalt  }
0x5d: {  	_ =	shalt  }
0x5e: {  	_ =	shalt  }
0x5f: {  	_ =	shalt  }
0x60: {  	_ =	shalt  }
0x61: {  	_ =	shalt  }
0x62: {  	_ =	shalt  }
0x63: {  	_ =	shalt  }
0x64: {  	_ =	shalt  }
0x65: {  	_ =	shalt  }
0x66: {  	_ =	shalt  }
0x67: {  	_ =	shalt  }
0x68: {  	_ =	shalt  }
0x69: {  	_ =	shalt  }
0x6a: {  	_ =	shalt  }
0x6b: {  	_ =	shalt  }
0x6c: {  	_ =	shalt  }
0x6d: {  	_ =	shalt  }
0x6e: {  	_ =	shalt  }
0x6f: {  	_ =	shalt  }
0x70: {  	_ =	shalt  }
0x71: {  	_ =	shalt  }
0x72: {  	_ =	shalt  }
0x73: {  	_ =	shalt  }
0x74: {  	_ =	shalt  }
0x75: {  	_ =	shalt  }
0x76: {  	_ =	shalt  }
0x77: {  	_ =	shalt  }
0x78: {  	_ =	shalt  }
0x79: {  	_ =	shalt  }
0x7a: {  	_ =	shalt  }
0x7b: {  	_ =	shalt  }
0x7c: {  	_ =	shalt  }
0x7d: {  	_ =	shalt  }
0x7e: {  	_ =	shalt  }
0x7f: {  	_ =	shalt  }
0x80: {  	_ =	shalt  }
0x81: {  	_ =	shalt  }
0x82: {  	_ =	shalt  }
0x83: {  	_ =	shalt  }
0x84: {  	_ =	shalt  }
0x85: {  	_ =	shalt  }
0x86: {  	_ =	shalt  }
0x87: {  	_ =	shalt  }
.Lfunc_end0:
.L_simem_size_0:
called_computation_lowered:
.L_overlay_start_0:
0x88: {  	s2 =	sld [smem:$0x3FD9]  }
0x89: {  	s3 =	sld [smem:$0x3FFE];
	_ =	sdelay $0x1  }
0x8a: {  	s1 =	srdreg.scid  }
0x8b: {  	s0 =	sand.u32 $0x1, s1  }
0x8c: {  	s18 =	sshll.u32 s0, $0xA;
	s2 =	sadd.s32 s3, s2  }
0x8d: {  	s2 =	sadd.s32 s2, s18  }
0x8e: {  	[smem:$0x3FC7] =	sst s2  }
0x8f: {  	_ = 	snop  }
0x90: {  	s2 =	sld [smem:$0x3FC9]  }
0x91: {  	s19 =	sld [smem:$0x3FD0];
	(tm) =	ssettm $0x1  }
0x92: {  	s4 =	sld [smem:$0x3FFB];
	_ =	sdelay $0x3  }
0x93: {  	_ =	strace s4  }
0x94: {  	s4 =	sld [smem:$0x3FFC];
	_ =	sdelay $0x3  }
0x95: {  	_ =	strace s4  }
0x96: {  	s4 =	sld [smem:$0x3FFD];
	_ =	sdelay $0x3  }
0x97: {  	_ =	strace s4  }
0x98: {  	_ =	strace $0x8FFFFFFF  }
0x99: {  	s20 =	sld [smem:$0x3FDB];
	_ =	sdelay $0x1  }
0x9a: {  	s5 =	simm.s32 $_scs_section_size  }
0x9b: {  	s6 =	simm.s32 $_size__tile_overlayer_lowered;
	s7 =	simm.s32 $_tile_overlayer_lowered  }
0x9c: {  	s23 =	simm.s32 $0x1BFF;
	s22 =	sshll.u32 s7, $0x1;
	s4 =	sadd.s32 s5, s20  }
0x9d: {  	s8 =	simm.s32 $0x0;
	s21 =	sshll.u32 s6, $0x1;
	s6 =	sadd.s32 s22, s4  }
0x9e: {  	[timem:s8], [sflag:s23] =	dma.local [hbm:s6], s21  }
0x9f: {  	_ =	swait.ge [sflag:s23], s21  }
0xa0: {  	s5 =	ssub.s32 $0x0, s21;
	[sflag:s23] =	ssyncset.done $0x0  }
0xa1: {  	[sflag:s23] =	ssyncadd.s32 s5;
	_ =	sdelay $0x1  }
0xa2: {  	s24 =	simm.s32 $0x1B8B  }
0xa3: {  	_ =	swait.ge [sflag:s24], $0x1  }
0xa4: {  	[sflag:s24] =	ssyncset.done $0x0  }
0xa5: {  	s25 =	simm.s32 $0x1B8E;
	[sflag:s24] =	ssyncadd.s32 $0xFFFFFFFF  }
0xa6: {  	s26 =	simm.s32 $execute0_lowered;
	[smem:$0x3FD2] =	sst s25  }
0xa7: {  	s5 =	sshll.u32 s26, $0x1;
	_ =	strace $0x80000046;
	[dreg:$0x1] =	wrdreg $0xFFFFFFFF  }
0xa8: {  	s28 =	simm.s32 $_size_execute0_lowered;
	s4 =	sadd.s32 s4, s5;
	[dreg:$0x0] =	wrdreg $0x0  }
0xa9: {  	s5 =	sshll.u32 s28, $0x1;
	[dreg:$0x2] =	wrdreg s4  }
0xaa: {  	[dreg:$0x3] =	wrdreg s5  }
0xab: {  	[dreg:$0x4] =	wrdreg $0xC0  }
0xac: {  	_ =	task [dreg:s8], $0x5FFFF  }
0xad: {  	[dreg:$0x1] =	wrdreg $0xFFFFFFFF  }
0xae: {  	[dreg:$0x0] =	wrdreg $0x60  }
0xaf: {  	[dreg:$0x2] =	wrdreg s2  }
0xb0: {  	[dreg:$0x3] =	wrdreg s19  }
0xb1: {  	[dreg:$0x4] =	wrdreg $0x9  }
0xb2: {  	_ =	task.clear_ibuf [dreg:s8], $0x5FFFF;
	_ =	strace $0x90000046  }
0xb3: {  	s29 =	simm.s32 $0x9;
	_ =	strace $0x80000048  }
0xb4: {  	_ =	swait.ge [sflag:s29], $0x1  }
0xb5: {  	[sflag:s29] =	ssyncadd.s32 $0xFFFFFFFF  }
0xb6: {  	_ =	strace $0x90000048  }
0xb7: {  	_ =	sfence  }
0xb8: {  	s30 =	sld [smem:$0x0];
	_ =	sdelay $0x2  }
0xb9: {  	s31 =	sshll.u32 s1, $0xD;
	s1 =	sshrl.u32 s1, $0x2  }
0xba: {  	s3 =	sand.u32 $0x4000, s31;
	s1 =	sadd.s32 s1, s30  }
0xbb: {  	s0 =	sor.u32 s3, s0;
	s1 =	sshll.u32 s1, $0x11  }
0xbc: {  	s0 =	sor.u32 s1, s0  }
0xbd: {  	s0 =	sadd.s32 $0x8F2B, s0  }
0xbe: {  	[sflag:s0] =	ssyncadd.remote.s32 $0x1  }
0xbf: {  	_ =	sfence.sel $0xFFFF  }
0xc0: {  	[dreg:$0x0] =	wrdreg $0xFFFFFFFF;
	(pc) =	sbr.abs _section_cstart, $3  }
0xc1: {  	[dreg:$0x1] =	wrdreg $0xFFFFFFFF  }
0xc2: {  	_ =	task.clear_ibuf [dreg:s8], $0x2FFFF;
	_ =	strace $0x9FFFFFFF  }
0xc3: {  	(tm) =	ssettm $0x7FFFFFFF  }
tec
execute0_lowered:
.L_overlay_start_1:
0x0: {  	(tag) =	ssettag $0x1  }
0x1: {  	s0 =	stileid.u32;
	s4 =	rddreg [dreg:$0x0]  }
0x2: {  	s1 =	srdreg.scid;
	s7 =	rddreg [dreg:$0x1];
	s13 =	simm.s32 $0x9000  }
0x3: {  	s14 =	simm.s32 $0xC000;
	s15 =	simm.s32 $0xF000;
	s16 =	simm.s32 $0x12000  }
0x4: {  	s17 =	simm.s32 $0x15000;
	s18 =	simm.s32 $0x2000;
	s6 =	sand.u32 $0x7, s0  }
0x5: {  	s19 =	simm.s32 $0x0;
	s3 =	sand.u32 $0x1, s1;
	s8 =	smul.u32 $0xC000, s6  }
0x6: {  	s2 =	sshll.u32 s0, $0x1;
	p0 =	sgt.u32 s0, $0x7;
	s9 =	smul.u32 $0x6000, s3  }
0x7: {  	s30 =	sand.u32 $0xE, s2;
	s2 =	simm.s32 $0x0;
	s6 =	smul.u32 $0x1200000, s6  }
0x8: {  	s10 =	ssub.s32 $0x2, s3;
	s12 =	smul.u32 $0x900000, s3;
	s1 =	sor.u32 s3, s30  }
0x9: {  	[smem:$0x7FF] =	sst s2;
	s11 =	sshrl.u32 s10, $0x1;
	s5 =	smul.u32 $0x600, s1  }
0xa: {  	s1 =	rddreg [dreg:$0x2];
	_ =	strace $0x80000047;
	s10 =	ssub.s32 s10, s11  }
.Ltmp0:
0xb: {  	s8 =	sadd.s32 s9, s8;
	s6 =	sadd.s32 s12, s6;
	(pc) =	sbr.rel .LBB2_1-.Ltmp0, $4  }
0xc: {  	s9 =	simm.s32 $0x60000;
	s11 =	simm.s32 $0x3000;
	s12 =	simm.s32 $0x6000  }
0xd: {  	s31 =	sshrl.u32 s8, $0x3;
	s6 =	sshrl.u32 s6, $0x3;
	s8 =	simm.s32 $0x1000  }
0xe: {  	s3 =	sadd.s32 s4, s5;
	s4 =	smax.u32 s10, $0x1;
	s5 =	sadd.s32 s31, s7  }
0xf: {  	s6 =	sadd.s32 s6, s7;
	s7 =	simm.s32 $0x2;
	s10 =	simm.s32 $0x1  }
.LBB2_43:
0x10: {  	s19 =	sadd.s32 $0x1, s19  }
0x11: {  	p1 =	sne.s32 s19, s4  }
.Ltmp1:
0x12: {  	_ = 	snop;
	(pc) =	sbr.rel @!p1 .LBB2_44-.Ltmp1, $1  }
0x13: {  	_ =	sdelay $0x3  }
.LBB2_1:
.Ltmp2:
0x14: {  	(pc) =	sbr.rel @p0 .LBB2_38-.Ltmp2, $2  }
0x15: {  	_ =	sdelay $0x2  }
0x16: {  	s20 =	simm.s32 $0x0;
	s21 =	simm.s32 $0x0  }
.LBB2_2:
0x17: {  	s22 =	sshll.u32 s21, $0x9  }
0x18: {  	s26 =	sadd.s32 $0x0, s20;
	s22 =	sadd.s32 s22, s3  }
0x19: {  	[tilespmem:s26], [sflag:$0x2] =	stream.linear.gather [hbm4b:s22+s2], $0x80, $0x38;
	[tilespmem:$0x18000] =	vst v63  }
0x1a: {  	s24 =	sadd.s32 $0x1000, s26;
	s23 =	sadd.s32 $0x10, s22  }
0x1b: {  	[tilespmem:s24], [sflag:$0x2] =	stream.linear.gather [hbm4b:s23+s2], $0x80, $0x38;
	[tilespmem:$0x18000] =	vst v63  }
0x1c: {  	s29 =	sadd.s32 $0x2000, s26;
	s31 =	sadd.s32 $0x3000, s26;
	s28 =	sadd.s32 $0x20, s22  }
0x1d: {  	[tilespmem:s29], [sflag:$0x2] =	stream.linear.gather [hbm4b:s28+s2], $0x80, $0x38;
	[tilespmem:$0x18000] =	vst v63  }
0x1e: {  	s25 =	sadd.s32 $0x4000, s26;
	s30 =	sadd.s32 $0x30, s22;
	s24 =	sadd.s32 $0x40, s22  }
0x1f: {  	[tilespmem:s31], [sflag:$0x2] =	stream.linear.gather [hbm4b:s30+s2], $0x80, $0x38;
	[tilespmem:$0x18000] =	vst v63  }
0x20: {  	s23 =	simm.s32 $0x400;
	s28 =	sadd.s32 $0x50, s22;
	s29 =	sadd.s32 $0x5000, s26  }
0x21: {  	[tilespmem:s25], [sflag:$0x2] =	stream.linear.gather [hbm4b:s24+s2], $0x80, $0x38;
	[tilespmem:$0x18000] =	vst v63  }
0x22: {  	s30 =	sadd.s32 $0x60, s22;
	s31 =	sadd.s32 $0x6000, s26;
	s26 =	sadd.s32 $0x7000, s26  }
0x23: {  	[tilespmem:s29], [sflag:$0x2] =	stream.linear.gather [hbm4b:s28+s2], $0x80, $0x38;
	[tilespmem:$0x18000] =	vst v63  }
0x24: {  	s24 =	simm.s32 $0x2000;
	s25 =	sadd.s32 $0x70, s22;
	s22 =	sadd.s32 $0x80, s22  }
0x25: {  	[tilespmem:s31], [sflag:$0x2] =	stream.linear.gather [hbm4b:s30+s2], $0x80, $0x38;
	[tilespmem:$0x18000] =	vst v63  }
.LBB2_3:
0x26: {  	[tilespmem:s26], [sflag:$0x2] =	stream.linear.gather [hbm4b:s25+s2], $0x80, $0x38;
	[tilespmem:$0x18000] =	vst v63  }
0x27: {  	s25 =	smov.u32 s24  }
0x28: {  	s28 =	sadd.s32 $0x1000, s24;
	s26 =	sadd.s32 s23, s20;
	s23 =	sshra.s32 s25, $0x2  }
0x29: {  	[tilespmem:s26], [sflag:$0x2] =	stream.linear.gather [hbm4b:s22+s2], $0x80, $0x38;
	[tilespmem:$0x18000] =	vst v63  }
0x2a: {  	p1 =	sne.s32 s24, $0x3000;
	s24 =	sadd.s32 $0x10, s22;
	s25 =	sadd.s32 $0x1000, s26  }
0x2b: {  	[tilespmem:s25], [sflag:$0x2] =	stream.linear.gather [hbm4b:s24+s2], $0x80, $0x38;
	[tilespmem:$0x18000] =	vst v63  }
0x2c: {  	s24 =	sadd.s32 $0x20, s22;
	s25 =	sadd.s32 $0x2000, s26  }
0x2d: {  	[tilespmem:s25], [sflag:$0x2] =	stream.linear.gather [hbm4b:s24+s2], $0x80, $0x38;
	[tilespmem:$0x18000] =	vst v63  }
0x2e: {  	s24 =	sadd.s32 $0x30, s22;
	s25 =	sadd.s32 $0x3000, s26  }
0x2f: {  	[tilespmem:s25], [sflag:$0x2] =	stream.linear.gather [hbm4b:s24+s2], $0x80, $0x38;
	[tilespmem:$0x18000] =	vst v63  }
0x30: {  	s24 =	sadd.s32 $0x40, s22;
	s25 =	sadd.s32 $0x4000, s26  }
0x31: {  	[tilespmem:s25], [sflag:$0x2] =	stream.linear.gather [hbm4b:s24+s2], $0x80, $0x38;
	[tilespmem:$0x18000] =	vst v63  }
.Ltmp3:
0x32: {  	s24 =	sadd.s32 $0x50, s22;
	s25 =	sadd.s32 $0x5000, s26;
	(pc) =	sbr.rel @p1 .LBB2_3-.Ltmp3, $4  }
0x33: {  	[tilespmem:s25], [sflag:$0x2] =	stream.linear.gather [hbm4b:s24+s2], $0x80, $0x38;
	[tilespmem:$0x18000] =	vst v63  }
0x34: {  	s24 =	sadd.s32 $0x60, s22;
	s25 =	sadd.s32 $0x6000, s26;
	s26 =	sadd.s32 $0x7000, s26  }
0x35: {  	[tilespmem:s25], [sflag:$0x2] =	stream.linear.gather [hbm4b:s24+s2], $0x80, $0x38;
	[tilespmem:$0x18000] =	vst v63  }
0x36: {  	s25 =	sadd.s32 $0x70, s22;
	s22 =	sadd.s32 $0x80, s22;
	s24 =	smov.u32 s28  }
0x37: {  	[tilespmem:s26], [sflag:$0x2] =	stream.linear.gather [hbm4b:s25+s2], $0x80, $0x38;
	[tilespmem:$0x18000] =	vst v63  }
0x38: {  	s23 =	sadd.s32 s23, s20  }
0x39: {  	[tilespmem:s23], [sflag:$0x2] =	stream.linear.gather [hbm4b:s22+s2], $0x80, $0x38;
	[tilespmem:$0x18000] =	vst v63  }
0x3a: {  	s24 =	sadd.s32 $0x10, s22;
	s31 =	sadd.s32 $0x1000, s23  }
0x3b: {  	[tilespmem:s31], [sflag:$0x2] =	stream.linear.gather [hbm4b:s24+s2], $0x80, $0x38;
	[tilespmem:$0x18000] =	vst v63  }
0x3c: {  	s25 =	sadd.s32 $0x20, s22;
	s26 =	sadd.s32 $0x2000, s23  }
0x3d: {  	[tilespmem:s26], [sflag:$0x2] =	stream.linear.gather [hbm4b:s25+s2], $0x80, $0x38;
	[tilespmem:$0x18000] =	vst v63  }
0x3e: {  	s28 =	sadd.s32 $0x30, s22;
	s29 =	sadd.s32 $0x3000, s23  }
0x3f: {  	[tilespmem:s29], [sflag:$0x2] =	stream.linear.gather [hbm4b:s28+s2], $0x80, $0x38;
	[tilespmem:$0x18000] =	vst v63  }
0x40: {  	s30 =	sadd.s32 $0x40, s22;
	s21 =	sadd.s32 $0x1, s21;
	s31 =	sadd.s32 $0x4000, s23  }
0x41: {  	[tilespmem:s31], [sflag:$0x2] =	stream.linear.gather [hbm4b:s30+s2], $0x80, $0x38;
	[tilespmem:$0x18000] =	vst v63  }
0x42: {  	p1 =	sne.s32 s21, $0x3;
	s26 =	sadd.s32 $0x50, s22;
	s28 =	sadd.s32 $0x5000, s23  }
0x43: {  	[tilespmem:s28], [sflag:$0x2] =	stream.linear.gather [hbm4b:s26+s2], $0x80, $0x38;
	[tilespmem:$0x18000] =	vst v63  }
.Ltmp4:
0x44: {  	_ = 	snop;
	(pc) =	sbr.rel @p1 .LBB2_2-.Ltmp4, $4  }
0x45: {  	s29 =	sadd.s32 $0x60, s22;
	s30 =	sadd.s32 $0x6000, s23  }
0x46: {  	[tilespmem:s30], [sflag:$0x2] =	stream.linear.gather [hbm4b:s29+s2], $0x80, $0x38;
	[tilespmem:$0x18000] =	vst v63  }
0x47: {  	s20 =	sadd.s32 $0x8000, s20;
	s31 =	sadd.s32 $0x70, s22;
	s23 =	sadd.s32 $0x7000, s23  }
0x48: {  	[tilespmem:s23], [sflag:$0x2] =	stream.linear.gather [hbm4b:s31+s2], $0x80, $0x38;
	[tilespmem:$0x18000] =	vst v63  }
0x49: {  	_ =	swait.ge [sflag:s7], $0x3000  }
0x4a: {  	[sflag:s7] =	ssyncset.done $0x0  }
0x4b: {  	s20 =	simm.s32 $0x0;
	s21 =	simm.s32 $0x0;
	[sflag:s7] =	ssyncadd.s32 $0xFFFFD000  }
.LBB2_6:
0x4c: {  	s22 =	sshll.u32 s21, $0x9;
	s26 =	sadd.s32 $0x0, s20  }
0x4d: {  	s22 =	sadd.s32 s22, s3;
	s23 =	sadd.s32 $0x80, s26  }
0x4e: {  	[tilespmem:s23], [sflag:$0x2] =	stream.linear.gather [hbm4b:s22+s2], $0x80, $0x38;
	[tilespmem:$0x18000] =	vst v63  }
0x4f: {  	s24 =	sadd.s32 $0x1080, s26;
	s25 =	sadd.s32 $0x10, s22  }
0x50: {  	[tilespmem:s24], [sflag:$0x2] =	stream.linear.gather [hbm4b:s25+s2], $0x80, $0x38;
	[tilespmem:$0x18000] =	vst v63  }
0x51: {  	s29 =	sadd.s32 $0x2080, s26;
	s31 =	sadd.s32 $0x3080, s26;
	s28 =	sadd.s32 $0x20, s22  }
0x52: {  	[tilespmem:s29], [sflag:$0x2] =	stream.linear.gather [hbm4b:s28+s2], $0x80, $0x38;
	[tilespmem:$0x18000] =	vst v63  }
0x53: {  	s30 =	sadd.s32 $0x30, s22;
	s23 =	simm.s32 $0x400;
	s24 =	sadd.s32 $0x40, s22  }
0x54: {  	[tilespmem:s31], [sflag:$0x2] =	stream.linear.gather [hbm4b:s30+s2], $0x80, $0x38;
	[tilespmem:$0x18000] =	vst v63  }
0x55: {  	s25 =	sadd.s32 $0x4080, s26;
	s28 =	sadd.s32 $0x50, s22;
	s29 =	sadd.s32 $0x5080, s26  }
0x56: {  	[tilespmem:s25], [sflag:$0x2] =	stream.linear.gather [hbm4b:s24+s2], $0x80, $0x38;
	[tilespmem:$0x18000] =	vst v63  }
0x57: {  	s30 =	sadd.s32 $0x60, s22;
	s31 =	sadd.s32 $0x6080, s26;
	s26 =	sadd.s32 $0x7080, s26  }
0x58: {  	[tilespmem:s29], [sflag:$0x2] =	stream.linear.gather [hbm4b:s28+s2], $0x80, $0x38;
	[tilespmem:$0x18000] =	vst v63  }
0x59: {  	s24 =	simm.s32 $0x2000;
	s25 =	sadd.s32 $0x70, s22;
	s22 =	sadd.s32 $0x80, s22  }
0x5a: {  	[tilespmem:s31], [sflag:$0x2] =	stream.linear.gather [hbm4b:s30+s2], $0x80, $0x38;
	[tilespmem:$0x18000] =	vst v63  }
.LBB2_7:
0x5b: {  	[tilespmem:s26], [sflag:$0x2] =	stream.linear.gather [hbm4b:s25+s2], $0x80, $0x38;
	[tilespmem:$0x18000] =	vst v63  }
0x5c: {  	s25 =	smov.u32 s24  }
0x5d: {  	s28 =	sadd.s32 $0x1000, s24;
	s26 =	sadd.s32 s23, s20;
	s23 =	sshra.s32 s25, $0x2  }
0x5e: {  	p1 =	sne.s32 s24, $0x3000;
	s24 =	sadd.s32 $0x80, s26  }
0x5f: {  	[tilespmem:s24], [sflag:$0x2] =	stream.linear.gather [hbm4b:s22+s2], $0x80, $0x38;
	[tilespmem:$0x18000] =	vst v63  }
0x60: {  	s25 =	sadd.s32 $0x1080, s26;
	s24 =	sadd.s32 $0x10, s22  }
0x61: {  	[tilespmem:s25], [sflag:$0x2] =	stream.linear.gather [hbm4b:s24+s2], $0x80, $0x38;
	[tilespmem:$0x18000] =	vst v63  }
0x62: {  	s24 =	sadd.s32 $0x20, s22;
	s25 =	sadd.s32 $0x2080, s26  }
0x63: {  	[tilespmem:s25], [sflag:$0x2] =	stream.linear.gather [hbm4b:s24+s2], $0x80, $0x38;
	[tilespmem:$0x18000] =	vst v63  }
0x64: {  	s24 =	sadd.s32 $0x30, s22;
	s25 =	sadd.s32 $0x3080, s26  }
0x65: {  	[tilespmem:s25], [sflag:$0x2] =	stream.linear.gather [hbm4b:s24+s2], $0x80, $0x38;
	[tilespmem:$0x18000] =	vst v63  }
0x66: {  	s24 =	sadd.s32 $0x40, s22;
	s25 =	sadd.s32 $0x4080, s26  }
0x67: {  	[tilespmem:s25], [sflag:$0x2] =	stream.linear.gather [hbm4b:s24+s2], $0x80, $0x38;
	[tilespmem:$0x18000] =	vst v63  }
.Ltmp5:
0x68: {  	s24 =	sadd.s32 $0x50, s22;
	s25 =	sadd.s32 $0x5080, s26;
	(pc) =	sbr.rel @p1 .LBB2_7-.Ltmp5, $4  }
0x69: {  	[tilespmem:s25], [sflag:$0x2] =	stream.linear.gather [hbm4b:s24+s2], $0x80, $0x38;
	[tilespmem:$0x18000] =	vst v63  }
0x6a: {  	s24 =	sadd.s32 $0x60, s22;
	s25 =	sadd.s32 $0x6080, s26;
	s26 =	sadd.s32 $0x7080, s26  }
0x6b: {  	[tilespmem:s25], [sflag:$0x2] =	stream.linear.gather [hbm4b:s24+s2], $0x80, $0x38;
	[tilespmem:$0x18000] =	vst v63  }
0x6c: {  	s25 =	sadd.s32 $0x70, s22;
	s22 =	sadd.s32 $0x80, s22;
	s24 =	smov.u32 s28  }
0x6d: {  	[tilespmem:s26], [sflag:$0x2] =	stream.linear.gather [hbm4b:s25+s2], $0x80, $0x38;
	[tilespmem:$0x18000] =	vst v63  }
0x6e: {  	s23 =	sadd.s32 s23, s20  }
0x6f: {  	s24 =	sadd.s32 $0x80, s23  }
0x70: {  	[tilespmem:s24], [sflag:$0x2] =	stream.linear.gather [hbm4b:s22+s2], $0x80, $0x38;
	[tilespmem:$0x18000] =	vst v63  }
0x71: {  	s30 =	sadd.s32 $0x10, s22;
	s31 =	sadd.s32 $0x1080, s23  }
0x72: {  	[tilespmem:s31], [sflag:$0x2] =	stream.linear.gather [hbm4b:s30+s2], $0x80, $0x38;
	[tilespmem:$0x18000] =	vst v63  }
0x73: {  	s25 =	sadd.s32 $0x20, s22;
	s26 =	sadd.s32 $0x2080, s23  }
0x74: {  	[tilespmem:s26], [sflag:$0x2] =	stream.linear.gather [hbm4b:s25+s2], $0x80, $0x38;
	[tilespmem:$0x18000] =	vst v63  }
0x75: {  	s28 =	sadd.s32 $0x30, s22;
	s29 =	sadd.s32 $0x3080, s23  }
0x76: {  	[tilespmem:s29], [sflag:$0x2] =	stream.linear.gather [hbm4b:s28+s2], $0x80, $0x38;
	[tilespmem:$0x18000] =	vst v63  }
0x77: {  	s21 =	sadd.s32 $0x1, s21;
	s30 =	sadd.s32 $0x40, s22;
	s31 =	sadd.s32 $0x4080, s23  }
0x78: {  	[tilespmem:s31], [sflag:$0x2] =	stream.linear.gather [hbm4b:s30+s2], $0x80, $0x38;
	[tilespmem:$0x18000] =	vst v63  }
0x79: {  	p1 =	sne.s32 s21, $0x3;
	s26 =	sadd.s32 $0x50, s22;
	s28 =	sadd.s32 $0x5080, s23  }
0x7a: {  	[tilespmem:s28], [sflag:$0x2] =	stream.linear.gather [hbm4b:s26+s2], $0x80, $0x38;
	[tilespmem:$0x18000] =	vst v63  }
.Ltmp6:
0x7b: {  	_ = 	snop;
	(pc) =	sbr.rel @p1 .LBB2_6-.Ltmp6, $4  }
0x7c: {  	s29 =	sadd.s32 $0x60, s22;
	s30 =	sadd.s32 $0x6080, s23  }
0x7d: {  	[tilespmem:s30], [sflag:$0x2] =	stream.linear.gather [hbm4b:s29+s2], $0x80, $0x38;
	[tilespmem:$0x18000] =	vst v63  }
0x7e: {  	s20 =	sadd.s32 $0x8000, s20;
	s31 =	sadd.s32 $0x70, s22;
	s23 =	sadd.s32 $0x7080, s23  }
0x7f: {  	[tilespmem:s23], [sflag:$0x2] =	stream.linear.gather [hbm4b:s31+s2], $0x80, $0x38;
	[tilespmem:$0x18000] =	vst v63  }
0x80: {  	_ =	swait.ge [sflag:s7], $0x3000  }
0x81: {  	[sflag:s7] =	ssyncset.done $0x0  }
0x82: {  	s20 =	simm.s32 $0x0;
	s21 =	simm.s32 $0x0;
	[sflag:s7] =	ssyncadd.s32 $0xFFFFD000  }
.LBB2_10:
0x83: {  	s22 =	sshll.u32 s21, $0x9;
	s26 =	sadd.s32 $0x0, s20  }
0x84: {  	s22 =	sadd.s32 s22, s3;
	s23 =	sadd.s32 $0x100, s26  }
0x85: {  	[tilespmem:s23], [sflag:$0x2] =	stream.linear.gather [hbm4b:s22+s2], $0x80, $0x38;
	[tilespmem:$0x18000] =	vst v63  }
0x86: {  	s24 =	sadd.s32 $0x1100, s26;
	s25 =	sadd.s32 $0x10, s22  }
0x87: {  	[tilespmem:s24], [sflag:$0x2] =	stream.linear.gather [hbm4b:s25+s2], $0x80, $0x38;
	[tilespmem:$0x18000] =	vst v63  }
0x88: {  	s29 =	sadd.s32 $0x2100, s26;
	s31 =	sadd.s32 $0x3100, s26;
	s28 =	sadd.s32 $0x20, s22  }
0x89: {  	[tilespmem:s29], [sflag:$0x2] =	stream.linear.gather [hbm4b:s28+s2], $0x80, $0x38;
	[tilespmem:$0x18000] =	vst v63  }
0x8a: {  	s30 =	sadd.s32 $0x30, s22;
	s23 =	simm.s32 $0x400;
	s24 =	sadd.s32 $0x40, s22  }
0x8b: {  	[tilespmem:s31], [sflag:$0x2] =	stream.linear.gather [hbm4b:s30+s2], $0x80, $0x38;
	[tilespmem:$0x18000] =	vst v63  }
0x8c: {  	s25 =	sadd.s32 $0x4100, s26;
	s28 =	sadd.s32 $0x50, s22;
	s29 =	sadd.s32 $0x5100, s26  }
0x8d: {  	[tilespmem:s25], [sflag:$0x2] =	stream.linear.gather [hbm4b:s24+s2], $0x80, $0x38;
	[tilespmem:$0x18000] =	vst v63  }
0x8e: {  	s30 =	sadd.s32 $0x60, s22;
	s31 =	sadd.s32 $0x6100, s26;
	s26 =	sadd.s32 $0x7100, s26  }
0x8f: {  	[tilespmem:s29], [sflag:$0x2] =	stream.linear.gather [hbm4b:s28+s2], $0x80, $0x38;
	[tilespmem:$0x18000] =	vst v63  }
0x90: {  	s24 =	simm.s32 $0x2000;
	s25 =	sadd.s32 $0x70, s22;
	s22 =	sadd.s32 $0x80, s22  }
0x91: {  	[tilespmem:s31], [sflag:$0x2] =	stream.linear.gather [hbm4b:s30+s2], $0x80, $0x38;
	[tilespmem:$0x18000] =	vst v63  }
.LBB2_11:
0x92: {  	[tilespmem:s26], [sflag:$0x2] =	stream.linear.gather [hbm4b:s25+s2], $0x80, $0x38;
	[tilespmem:$0x18000] =	vst v63  }
0x93: {  	s25 =	smov.u32 s24  }
0x94: {  	s28 =	sadd.s32 $0x1000, s24;
	s26 =	sadd.s32 s23, s20;
	s23 =	sshra.s32 s25, $0x2  }
0x95: {  	p1 =	sne.s32 s24, $0x3000;
	s24 =	sadd.s32 $0x100, s26  }
0x96: {  	[tilespmem:s24], [sflag:$0x2] =	stream.linear.gather [hbm4b:s22+s2], $0x80, $0x38;
	[tilespmem:$0x18000] =	vst v63  }
0x97: {  	s25 =	sadd.s32 $0x1100, s26;
	s24 =	sadd.s32 $0x10, s22  }
0x98: {  	[tilespmem:s25], [sflag:$0x2] =	stream.linear.gather [hbm4b:s24+s2], $0x80, $0x38;
	[tilespmem:$0x18000] =	vst v63  }
0x99: {  	s24 =	sadd.s32 $0x20, s22;
	s25 =	sadd.s32 $0x2100, s26  }
0x9a: {  	[tilespmem:s25], [sflag:$0x2] =	stream.linear.gather [hbm4b:s24+s2], $0x80, $0x38;
	[tilespmem:$0x18000] =	vst v63  }
0x9b: {  	s24 =	sadd.s32 $0x30, s22;
	s25 =	sadd.s32 $0x3100, s26  }
0x9c: {  	[tilespmem:s25], [sflag:$0x2] =	stream.linear.gather [hbm4b:s24+s2], $0x80, $0x38;
	[tilespmem:$0x18000] =	vst v63  }
0x9d: {  	s24 =	sadd.s32 $0x40, s22;
	s25 =	sadd.s32 $0x4100, s26  }
0x9e: {  	[tilespmem:s25], [sflag:$0x2] =	stream.linear.gather [hbm4b:s24+s2], $0x80, $0x38;
	[tilespmem:$0x18000] =	vst v63  }
.Ltmp7:
0x9f: {  	s24 =	sadd.s32 $0x50, s22;
	s25 =	sadd.s32 $0x5100, s26;
	(pc) =	sbr.rel @p1 .LBB2_11-.Ltmp7, $4  }
0xa0: {  	[tilespmem:s25], [sflag:$0x2] =	stream.linear.gather [hbm4b:s24+s2], $0x80, $0x38;
	[tilespmem:$0x18000] =	vst v63  }
0xa1: {  	s24 =	sadd.s32 $0x60, s22;
	s25 =	sadd.s32 $0x6100, s26;
	s26 =	sadd.s32 $0x7100, s26  }
0xa2: {  	[tilespmem:s25], [sflag:$0x2] =	stream.linear.gather [hbm4b:s24+s2], $0x80, $0x38;
	[tilespmem:$0x18000] =	vst v63  }
0xa3: {  	s25 =	sadd.s32 $0x70, s22;
	s22 =	sadd.s32 $0x80, s22;
	s24 =	smov.u32 s28  }
0xa4: {  	[tilespmem:s26], [sflag:$0x2] =	stream.linear.gather [hbm4b:s25+s2], $0x80, $0x38;
	[tilespmem:$0x18000] =	vst v63  }
0xa5: {  	s23 =	sadd.s32 s23, s20  }
0xa6: {  	s24 =	sadd.s32 $0x100, s23  }
0xa7: {  	[tilespmem:s24], [sflag:$0x2] =	stream.linear.gather [hbm4b:s22+s2], $0x80, $0x38;
	[tilespmem:$0x18000] =	vst v63  }
0xa8: {  	s30 =	sadd.s32 $0x10, s22;
	s31 =	sadd.s32 $0x1100, s23  }
0xa9: {  	[tilespmem:s31], [sflag:$0x2] =	stream.linear.gather [hbm4b:s30+s2], $0x80, $0x38;
	[tilespmem:$0x18000] =	vst v63  }
0xaa: {  	s25 =	sadd.s32 $0x20, s22;
	s26 =	sadd.s32 $0x2100, s23  }
0xab: {  	[tilespmem:s26], [sflag:$0x2] =	stream.linear.gather [hbm4b:s25+s2], $0x80, $0x38;
	[tilespmem:$0x18000] =	vst v63  }
0xac: {  	s28 =	sadd.s32 $0x30, s22;
	s29 =	sadd.s32 $0x3100, s23  }
0xad: {  	[tilespmem:s29], [sflag:$0x2] =	stream.linear.gather [hbm4b:s28+s2], $0x80, $0x38;
	[tilespmem:$0x18000] =	vst v63  }
0xae: {  	s21 =	sadd.s32 $0x1, s21;
	s30 =	sadd.s32 $0x40, s22;
	s31 =	sadd.s32 $0x4100, s23  }
0xaf: {  	[tilespmem:s31], [sflag:$0x2] =	stream.linear.gather [hbm4b:s30+s2], $0x80, $0x38;
	[tilespmem:$0x18000] =	vst v63  }
0xb0: {  	p1 =	sne.s32 s21, $0x3;
	s26 =	sadd.s32 $0x50, s22;
	s28 =	sadd.s32 $0x5100, s23  }
0xb1: {  	[tilespmem:s28], [sflag:$0x2] =	stream.linear.gather [hbm4b:s26+s2], $0x80, $0x38;
	[tilespmem:$0x18000] =	vst v63  }
.Ltmp8:
0xb2: {  	_ = 	snop;
	(pc) =	sbr.rel @p1 .LBB2_10-.Ltmp8, $4  }
0xb3: {  	s29 =	sadd.s32 $0x60, s22;
	s30 =	sadd.s32 $0x6100, s23  }
0xb4: {  	[tilespmem:s30], [sflag:$0x2] =	stream.linear.gather [hbm4b:s29+s2], $0x80, $0x38;
	[tilespmem:$0x18000] =	vst v63  }
0xb5: {  	s20 =	sadd.s32 $0x8000, s20;
	s31 =	sadd.s32 $0x70, s22;
	s23 =	sadd.s32 $0x7100, s23  }
0xb6: {  	[tilespmem:s23], [sflag:$0x2] =	stream.linear.gather [hbm4b:s31+s2], $0x80, $0x38;
	[tilespmem:$0x18000] =	vst v63  }
0xb7: {  	_ =	swait.ge [sflag:s7], $0x3000  }
0xb8: {  	[sflag:s7] =	ssyncset.done $0x0  }
0xb9: {  	s20 =	simm.s32 $0x0;
	s21 =	simm.s32 $0x0;
	[sflag:s7] =	ssyncadd.s32 $0xFFFFD000  }
.LBB2_14:
0xba: {  	s22 =	sshll.u32 s21, $0x9;
	s26 =	sadd.s32 $0x0, s20  }
0xbb: {  	s22 =	sadd.s32 s22, s3;
	s23 =	sadd.s32 $0x180, s26  }
0xbc: {  	[tilespmem:s23], [sflag:$0x2] =	stream.linear.gather [hbm4b:s22+s2], $0x80, $0x38;
	[tilespmem:$0x18000] =	vst v63  }
0xbd: {  	s24 =	sadd.s32 $0x1180, s26;
	s25 =	sadd.s32 $0x10, s22  }
0xbe: {  	[tilespmem:s24], [sflag:$0x2] =	stream.linear.gather [hbm4b:s25+s2], $0x80, $0x38;
	[tilespmem:$0x18000] =	vst v63  }
0xbf: {  	s29 =	sadd.s32 $0x2180, s26;
	s31 =	sadd.s32 $0x3180, s26;
	s28 =	sadd.s32 $0x20, s22  }
0xc0: {  	[tilespmem:s29], [sflag:$0x2] =	stream.linear.gather [hbm4b:s28+s2], $0x80, $0x38;
	[tilespmem:$0x18000] =	vst v63  }
0xc1: {  	s30 =	sadd.s32 $0x30, s22;
	s23 =	simm.s32 $0x400;
	s24 =	sadd.s32 $0x40, s22  }
0xc2: {  	[tilespmem:s31], [sflag:$0x2] =	stream.linear.gather [hbm4b:s30+s2], $0x80, $0x38;
	[tilespmem:$0x18000] =	vst v63  }
0xc3: {  	s25 =	sadd.s32 $0x4180, s26;
	s28 =	sadd.s32 $0x50, s22;
	s29 =	sadd.s32 $0x5180, s26  }
0xc4: {  	[tilespmem:s25], [sflag:$0x2] =	stream.linear.gather [hbm4b:s24+s2], $0x80, $0x38;
	[tilespmem:$0x18000] =	vst v63  }
0xc5: {  	s30 =	sadd.s32 $0x60, s22;
	s31 =	sadd.s32 $0x6180, s26;
	s26 =	sadd.s32 $0x7180, s26  }
0xc6: {  	[tilespmem:s29], [sflag:$0x2] =	stream.linear.gather [hbm4b:s28+s2], $0x80, $0x38;
	[tilespmem:$0x18000] =	vst v63  }
0xc7: {  	s24 =	simm.s32 $0x2000;
	s25 =	sadd.s32 $0x70, s22;
	s22 =	sadd.s32 $0x80, s22  }
0xc8: {  	[tilespmem:s31], [sflag:$0x2] =	stream.linear.gather [hbm4b:s30+s2], $0x80, $0x38;
	[tilespmem:$0x18000] =	vst v63  }
.LBB2_15:
0xc9: {  	[tilespmem:s26], [sflag:$0x2] =	stream.linear.gather [hbm4b:s25+s2], $0x80, $0x38;
	[tilespmem:$0x18000] =	vst v63  }
0xca: {  	s25 =	smov.u32 s24  }
0xcb: {  	s28 =	sadd.s32 $0x1000, s24;
	s26 =	sadd.s32 s23, s20;
	s23 =	sshra.s32 s25, $0x2  }
0xcc: {  	p1 =	sne.s32 s24, $0x3000;
	s24 =	sadd.s32 $0x180, s26  }
0xcd: {  	[tilespmem:s24], [sflag:$0x2] =	stream.linear.gather [hbm4b:s22+s2], $0x80, $0x38;
	[tilespmem:$0x18000] =	vst v63  }
0xce: {  	s25 =	sadd.s32 $0x1180, s26;
	s24 =	sadd.s32 $0x10, s22  }
0xcf: {  	[tilespmem:s25], [sflag:$0x2] =	stream.linear.gather [hbm4b:s24+s2], $0x80, $0x38;
	[tilespmem:$0x18000] =	vst v63  }
0xd0: {  	s24 =	sadd.s32 $0x20, s22;
	s25 =	sadd.s32 $0x2180, s26  }
0xd1: {  	[tilespmem:s25], [sflag:$0x2] =	stream.linear.gather [hbm4b:s24+s2], $0x80, $0x38;
	[tilespmem:$0x18000] =	vst v63  }
0xd2: {  	s24 =	sadd.s32 $0x30, s22;
	s25 =	sadd.s32 $0x3180, s26  }
0xd3: {  	[tilespmem:s25], [sflag:$0x2] =	stream.linear.gather [hbm4b:s24+s2], $0x80, $0x38;
	[tilespmem:$0x18000] =	vst v63  }
0xd4: {  	s24 =	sadd.s32 $0x40, s22;
	s25 =	sadd.s32 $0x4180, s26  }
0xd5: {  	[tilespmem:s25], [sflag:$0x2] =	stream.linear.gather [hbm4b:s24+s2], $0x80, $0x38;
	[tilespmem:$0x18000] =	vst v63  }
.Ltmp9:
0xd6: {  	s24 =	sadd.s32 $0x50, s22;
	s25 =	sadd.s32 $0x5180, s26;
	(pc) =	sbr.rel @p1 .LBB2_15-.Ltmp9, $4  }
0xd7: {  	[tilespmem:s25], [sflag:$0x2] =	stream.linear.gather [hbm4b:s24+s2], $0x80, $0x38;
	[tilespmem:$0x18000] =	vst v63  }
0xd8: {  	s24 =	sadd.s32 $0x60, s22;
	s25 =	sadd.s32 $0x6180, s26;
	s26 =	sadd.s32 $0x7180, s26  }
0xd9: {  	[tilespmem:s25], [sflag:$0x2] =	stream.linear.gather [hbm4b:s24+s2], $0x80, $0x38;
	[tilespmem:$0x18000] =	vst v63  }
0xda: {  	s25 =	sadd.s32 $0x70, s22;
	s22 =	sadd.s32 $0x80, s22;
	s24 =	smov.u32 s28  }
0xdb: {  	[tilespmem:s26], [sflag:$0x2] =	stream.linear.gather [hbm4b:s25+s2], $0x80, $0x38;
	[tilespmem:$0x18000] =	vst v63  }
0xdc: {  	s23 =	sadd.s32 s23, s20  }
0xdd: {  	s24 =	sadd.s32 $0x180, s23  }
0xde: {  	[tilespmem:s24], [sflag:$0x2] =	stream.linear.gather [hbm4b:s22+s2], $0x80, $0x38;
	[tilespmem:$0x18000] =	vst v63  }
0xdf: {  	s30 =	sadd.s32 $0x10, s22;
	s31 =	sadd.s32 $0x1180, s23  }
0xe0: {  	[tilespmem:s31], [sflag:$0x2] =	stream.linear.gather [hbm4b:s30+s2], $0x80, $0x38;
	[tilespmem:$0x18000] =	vst v63  }
0xe1: {  	s25 =	sadd.s32 $0x20, s22;
	s26 =	sadd.s32 $0x2180, s23  }
0xe2: {  	[tilespmem:s26], [sflag:$0x2] =	stream.linear.gather [hbm4b:s25+s2], $0x80, $0x38;
	[tilespmem:$0x18000] =	vst v63  }
0xe3: {  	s28 =	sadd.s32 $0x30, s22;
	s29 =	sadd.s32 $0x3180, s23  }
0xe4: {  	[tilespmem:s29], [sflag:$0x2] =	stream.linear.gather [hbm4b:s28+s2], $0x80, $0x38;
	[tilespmem:$0x18000] =	vst v63  }
0xe5: {  	s21 =	sadd.s32 $0x1, s21;
	s30 =	sadd.s32 $0x40, s22;
	s31 =	sadd.s32 $0x4180, s23  }
0xe6: {  	[tilespmem:s31], [sflag:$0x2] =	stream.linear.gather [hbm4b:s30+s2], $0x80, $0x38;
	[tilespmem:$0x18000] =	vst v63  }
0xe7: {  	p1 =	sne.s32 s21, $0x3;
	s26 =	sadd.s32 $0x50, s22;
	s28 =	sadd.s32 $0x5180, s23  }
0xe8: {  	[tilespmem:s28], [sflag:$0x2] =	stream.linear.gather [hbm4b:s26+s2], $0x80, $0x38;
	[tilespmem:$0x18000] =	vst v63  }
.Ltmp10:
0xe9: {  	_ = 	snop;
	(pc) =	sbr.rel @p1 .LBB2_14-.Ltmp10, $4  }
0xea: {  	s29 =	sadd.s32 $0x60, s22;
	s30 =	sadd.s32 $0x6180, s23  }
0xeb: {  	[tilespmem:s30], [sflag:$0x2] =	stream.linear.gather [hbm4b:s29+s2], $0x80, $0x38;
	[tilespmem:$0x18000] =	vst v63  }
0xec: {  	s20 =	sadd.s32 $0x8000, s20;
	s31 =	sadd.s32 $0x70, s22;
	s23 =	sadd.s32 $0x7180, s23  }
0xed: {  	[tilespmem:s23], [sflag:$0x2] =	stream.linear.gather [hbm4b:s31+s2], $0x80, $0x38;
	[tilespmem:$0x18000] =	vst v63  }
0xee: {  	_ =	swait.ge [sflag:s7], $0x3000  }
0xef: {  	[sflag:s7] =	ssyncset.done $0x0  }
0xf0: {  	s20 =	simm.s32 $0x0;
	s21 =	simm.s32 $0x0;
	[sflag:s7] =	ssyncadd.s32 $0xFFFFD000  }
.LBB2_18:
0xf1: {  	s22 =	sshll.u32 s21, $0x9;
	s26 =	sadd.s32 $0x0, s20  }
0xf2: {  	s22 =	sadd.s32 s22, s3;
	s23 =	sadd.s32 $0x200, s26  }
0xf3: {  	[tilespmem:s23], [sflag:$0x2] =	stream.linear.gather [hbm4b:s22+s2], $0x80, $0x38;
	[tilespmem:$0x18000] =	vst v63  }
0xf4: {  	s24 =	sadd.s32 $0x1200, s26;
	s25 =	sadd.s32 $0x10, s22  }
0xf5: {  	[tilespmem:s24], [sflag:$0x2] =	stream.linear.gather [hbm4b:s25+s2], $0x80, $0x38;
	[tilespmem:$0x18000] =	vst v63  }
0xf6: {  	s29 =	sadd.s32 $0x2200, s26;
	s31 =	sadd.s32 $0x3200, s26;
	s28 =	sadd.s32 $0x20, s22  }
0xf7: {  	[tilespmem:s29], [sflag:$0x2] =	stream.linear.gather [hbm4b:s28+s2], $0x80, $0x38;
	[tilespmem:$0x18000] =	vst v63  }
0xf8: {  	s30 =	sadd.s32 $0x30, s22;
	s23 =	simm.s32 $0x400;
	s24 =	sadd.s32 $0x40, s22  }
0xf9: {  	[tilespmem:s31], [sflag:$0x2] =	stream.linear.gather [hbm4b:s30+s2], $0x80, $0x38;
	[tilespmem:$0x18000] =	vst v63  }
0xfa: {  	s25 =	sadd.s32 $0x4200, s26;
	s28 =	sadd.s32 $0x50, s22;
	s29 =	sadd.s32 $0x5200, s26  }
0xfb: {  	[tilespmem:s25], [sflag:$0x2] =	stream.linear.gather [hbm4b:s24+s2], $0x80, $0x38;
	[tilespmem:$0x18000] =	vst v63  }
0xfc: {  	s30 =	sadd.s32 $0x60, s22;
	s31 =	sadd.s32 $0x6200, s26;
	s26 =	sadd.s32 $0x7200, s26  }
0xfd: {  	[tilespmem:s29], [sflag:$0x2] =	stream.linear.gather [hbm4b:s28+s2], $0x80, $0x38;
	[tilespmem:$0x18000] =	vst v63  }
0xfe: {  	s24 =	simm.s32 $0x2000;
	s25 =	sadd.s32 $0x70, s22;
	s22 =	sadd.s32 $0x80, s22  }
0xff: {  	[tilespmem:s31], [sflag:$0x2] =	stream.linear.gather [hbm4b:s30+s2], $0x80, $0x38;
	[tilespmem:$0x18000] =	vst v63  }
.LBB2_19:
0x100: {  	[tilespmem:s26], [sflag:$0x2] =	stream.linear.gather [hbm4b:s25+s2], $0x80, $0x38;
	[tilespmem:$0x18000] =	vst v63  }
0x101: {  	s25 =	smov.u32 s24  }
0x102: {  	s28 =	sadd.s32 $0x1000, s24;
	s26 =	sadd.s32 s23, s20;
	s23 =	sshra.s32 s25, $0x2  }
0x103: {  	p1 =	sne.s32 s24, $0x3000;
	s24 =	sadd.s32 $0x200, s26  }
0x104: {  	[tilespmem:s24], [sflag:$0x2] =	stream.linear.gather [hbm4b:s22+s2], $0x80, $0x38;
	[tilespmem:$0x18000] =	vst v63  }
0x105: {  	s25 =	sadd.s32 $0x1200, s26;
	s24 =	sadd.s32 $0x10, s22  }
0x106: {  	[tilespmem:s25], [sflag:$0x2] =	stream.linear.gather [hbm4b:s24+s2], $0x80, $0x38;
	[tilespmem:$0x18000] =	vst v63  }
0x107: {  	s24 =	sadd.s32 $0x20, s22;
	s25 =	sadd.s32 $0x2200, s26  }
0x108: {  	[tilespmem:s25], [sflag:$0x2] =	stream.linear.gather [hbm4b:s24+s2], $0x80, $0x38;
	[tilespmem:$0x18000] =	vst v63  }
0x109: {  	s24 =	sadd.s32 $0x30, s22;
	s25 =	sadd.s32 $0x3200, s26  }
0x10a: {  	[tilespmem:s25], [sflag:$0x2] =	stream.linear.gather [hbm4b:s24+s2], $0x80, $0x38;
	[tilespmem:$0x18000] =	vst v63  }
0x10b: {  	s24 =	sadd.s32 $0x40, s22;
	s25 =	sadd.s32 $0x4200, s26  }
0x10c: {  	[tilespmem:s25], [sflag:$0x2] =	stream.linear.gather [hbm4b:s24+s2], $0x80, $0x38;
	[tilespmem:$0x18000] =	vst v63  }
.Ltmp11:
0x10d: {  	s24 =	sadd.s32 $0x50, s22;
	s25 =	sadd.s32 $0x5200, s26;
	(pc) =	sbr.rel @p1 .LBB2_19-.Ltmp11, $4  }
0x10e: {  	[tilespmem:s25], [sflag:$0x2] =	stream.linear.gather [hbm4b:s24+s2], $0x80, $0x38;
	[tilespmem:$0x18000] =	vst v63  }
0x10f: {  	s24 =	sadd.s32 $0x60, s22;
	s25 =	sadd.s32 $0x6200, s26;
	s26 =	sadd.s32 $0x7200, s26  }
0x110: {  	[tilespmem:s25], [sflag:$0x2] =	stream.linear.gather [hbm4b:s24+s2], $0x80, $0x38;
	[tilespmem:$0x18000] =	vst v63  }
0x111: {  	s25 =	sadd.s32 $0x70, s22;
	s22 =	sadd.s32 $0x80, s22;
	s24 =	smov.u32 s28  }
0x112: {  	[tilespmem:s26], [sflag:$0x2] =	stream.linear.gather [hbm4b:s25+s2], $0x80, $0x38;
	[tilespmem:$0x18000] =	vst v63  }
0x113: {  	s23 =	sadd.s32 s23, s20  }
0x114: {  	s24 =	sadd.s32 $0x200, s23  }
0x115: {  	[tilespmem:s24], [sflag:$0x2] =	stream.linear.gather [hbm4b:s22+s2], $0x80, $0x38;
	[tilespmem:$0x18000] =	vst v63  }
0x116: {  	s30 =	sadd.s32 $0x10, s22;
	s31 =	sadd.s32 $0x1200, s23  }
0x117: {  	[tilespmem:s31], [sflag:$0x2] =	stream.linear.gather [hbm4b:s30+s2], $0x80, $0x38;
	[tilespmem:$0x18000] =	vst v63  }
0x118: {  	s25 =	sadd.s32 $0x20, s22;
	s26 =	sadd.s32 $0x2200, s23  }
0x119: {  	[tilespmem:s26], [sflag:$0x2] =	stream.linear.gather [hbm4b:s25+s2], $0x80, $0x38;
	[tilespmem:$0x18000] =	vst v63  }
0x11a: {  	s28 =	sadd.s32 $0x30, s22;
	s29 =	sadd.s32 $0x3200, s23  }
0x11b: {  	[tilespmem:s29], [sflag:$0x2] =	stream.linear.gather [hbm4b:s28+s2], $0x80, $0x38;
	[tilespmem:$0x18000] =	vst v63  }
0x11c: {  	s21 =	sadd.s32 $0x1, s21;
	s30 =	sadd.s32 $0x40, s22;
	s31 =	sadd.s32 $0x4200, s23  }
0x11d: {  	[tilespmem:s31], [sflag:$0x2] =	stream.linear.gather [hbm4b:s30+s2], $0x80, $0x38;
	[tilespmem:$0x18000] =	vst v63  }
0x11e: {  	p1 =	sne.s32 s21, $0x3;
	s26 =	sadd.s32 $0x50, s22;
	s28 =	sadd.s32 $0x5200, s23  }
0x11f: {  	[tilespmem:s28], [sflag:$0x2] =	stream.linear.gather [hbm4b:s26+s2], $0x80, $0x38;
	[tilespmem:$0x18000] =	vst v63  }
.Ltmp12:
0x120: {  	_ = 	snop;
	(pc) =	sbr.rel @p1 .LBB2_18-.Ltmp12, $4  }
0x121: {  	s29 =	sadd.s32 $0x60, s22;
	s30 =	sadd.s32 $0x6200, s23  }
0x122: {  	[tilespmem:s30], [sflag:$0x2] =	stream.linear.gather [hbm4b:s29+s2], $0x80, $0x38;
	[tilespmem:$0x18000] =	vst v63  }
0x123: {  	s20 =	sadd.s32 $0x8000, s20;
	s31 =	sadd.s32 $0x70, s22;
	s23 =	sadd.s32 $0x7200, s23  }
0x124: {  	[tilespmem:s23], [sflag:$0x2] =	stream.linear.gather [hbm4b:s31+s2], $0x80, $0x38;
	[tilespmem:$0x18000] =	vst v63  }
0x125: {  	_ =	swait.ge [sflag:s7], $0x3000  }
0x126: {  	[sflag:s7] =	ssyncset.done $0x0  }
0x127: {  	s20 =	simm.s32 $0x0;
	s21 =	simm.s32 $0x0;
	[sflag:s7] =	ssyncadd.s32 $0xFFFFD000  }
.LBB2_22:
0x128: {  	s22 =	sshll.u32 s21, $0x9;
	s26 =	sadd.s32 $0x0, s20  }
0x129: {  	s22 =	sadd.s32 s22, s3;
	s23 =	sadd.s32 $0x280, s26  }
0x12a: {  	[tilespmem:s23], [sflag:$0x2] =	stream.linear.gather [hbm4b:s22+s2], $0x80, $0x38;
	[tilespmem:$0x18000] =	vst v63  }
0x12b: {  	s24 =	sadd.s32 $0x1280, s26;
	s25 =	sadd.s32 $0x10, s22  }
0x12c: {  	[tilespmem:s24], [sflag:$0x2] =	stream.linear.gather [hbm4b:s25+s2], $0x80, $0x38;
	[tilespmem:$0x18000] =	vst v63  }
0x12d: {  	s29 =	sadd.s32 $0x2280, s26;
	s31 =	sadd.s32 $0x3280, s26;
	s28 =	sadd.s32 $0x20, s22  }
0x12e: {  	[tilespmem:s29], [sflag:$0x2] =	stream.linear.gather [hbm4b:s28+s2], $0x80, $0x38;
	[tilespmem:$0x18000] =	vst v63  }
0x12f: {  	s30 =	sadd.s32 $0x30, s22;
	s23 =	simm.s32 $0x400;
	s24 =	sadd.s32 $0x40, s22  }
0x130: {  	[tilespmem:s31], [sflag:$0x2] =	stream.linear.gather [hbm4b:s30+s2], $0x80, $0x38;
	[tilespmem:$0x18000] =	vst v63  }
0x131: {  	s25 =	sadd.s32 $0x4280, s26;
	s28 =	sadd.s32 $0x50, s22;
	s29 =	sadd.s32 $0x5280, s26  }
0x132: {  	[tilespmem:s25], [sflag:$0x2] =	stream.linear.gather [hbm4b:s24+s2], $0x80, $0x38;
	[tilespmem:$0x18000] =	vst v63  }
0x133: {  	s30 =	sadd.s32 $0x60, s22;
	s31 =	sadd.s32 $0x6280, s26;
	s26 =	sadd.s32 $0x7280, s26  }
0x134: {  	[tilespmem:s29], [sflag:$0x2] =	stream.linear.gather [hbm4b:s28+s2], $0x80, $0x38;
	[tilespmem:$0x18000] =	vst v63  }
0x135: {  	s24 =	simm.s32 $0x2000;
	s25 =	sadd.s32 $0x70, s22;
	s22 =	sadd.s32 $0x80, s22  }
0x136: {  	[tilespmem:s31], [sflag:$0x2] =	stream.linear.gather [hbm4b:s30+s2], $0x80, $0x38;
	[tilespmem:$0x18000] =	vst v63  }
.LBB2_23:
0x137: {  	[tilespmem:s26], [sflag:$0x2] =	stream.linear.gather [hbm4b:s25+s2], $0x80, $0x38;
	[tilespmem:$0x18000] =	vst v63  }
0x138: {  	s25 =	smov.u32 s24  }
0x139: {  	s28 =	sadd.s32 $0x1000, s24;
	s26 =	sadd.s32 s23, s20;
	s23 =	sshra.s32 s25, $0x2  }
0x13a: {  	p1 =	sne.s32 s24, $0x3000;
	s24 =	sadd.s32 $0x280, s26  }
0x13b: {  	[tilespmem:s24], [sflag:$0x2] =	stream.linear.gather [hbm4b:s22+s2], $0x80, $0x38;
	[tilespmem:$0x18000] =	vst v63  }
0x13c: {  	s25 =	sadd.s32 $0x1280, s26;
	s24 =	sadd.s32 $0x10, s22  }
0x13d: {  	[tilespmem:s25], [sflag:$0x2] =	stream.linear.gather [hbm4b:s24+s2], $0x80, $0x38;
	[tilespmem:$0x18000] =	vst v63  }
0x13e: {  	s24 =	sadd.s32 $0x20, s22;
	s25 =	sadd.s32 $0x2280, s26  }
0x13f: {  	[tilespmem:s25], [sflag:$0x2] =	stream.linear.gather [hbm4b:s24+s2], $0x80, $0x38;
	[tilespmem:$0x18000] =	vst v63  }
0x140: {  	s24 =	sadd.s32 $0x30, s22;
	s25 =	sadd.s32 $0x3280, s26  }
0x141: {  	[tilespmem:s25], [sflag:$0x2] =	stream.linear.gather [hbm4b:s24+s2], $0x80, $0x38;
	[tilespmem:$0x18000] =	vst v63  }
0x142: {  	s24 =	sadd.s32 $0x40, s22;
	s25 =	sadd.s32 $0x4280, s26  }
0x143: {  	[tilespmem:s25], [sflag:$0x2] =	stream.linear.gather [hbm4b:s24+s2], $0x80, $0x38;
	[tilespmem:$0x18000] =	vst v63  }
.Ltmp13:
0x144: {  	s24 =	sadd.s32 $0x50, s22;
	s25 =	sadd.s32 $0x5280, s26;
	(pc) =	sbr.rel @p1 .LBB2_23-.Ltmp13, $4  }
0x145: {  	[tilespmem:s25], [sflag:$0x2] =	stream.linear.gather [hbm4b:s24+s2], $0x80, $0x38;
	[tilespmem:$0x18000] =	vst v63  }
0x146: {  	s24 =	sadd.s32 $0x60, s22;
	s25 =	sadd.s32 $0x6280, s26;
	s26 =	sadd.s32 $0x7280, s26  }
0x147: {  	[tilespmem:s25], [sflag:$0x2] =	stream.linear.gather [hbm4b:s24+s2], $0x80, $0x38;
	[tilespmem:$0x18000] =	vst v63  }
0x148: {  	s25 =	sadd.s32 $0x70, s22;
	s22 =	sadd.s32 $0x80, s22;
	s24 =	smov.u32 s28  }
0x149: {  	[tilespmem:s26], [sflag:$0x2] =	stream.linear.gather [hbm4b:s25+s2], $0x80, $0x38;
	[tilespmem:$0x18000] =	vst v63  }
0x14a: {  	s23 =	sadd.s32 s23, s20  }
0x14b: {  	s24 =	sadd.s32 $0x280, s23  }
0x14c: {  	[tilespmem:s24], [sflag:$0x2] =	stream.linear.gather [hbm4b:s22+s2], $0x80, $0x38;
	[tilespmem:$0x18000] =	vst v63  }
0x14d: {  	s30 =	sadd.s32 $0x10, s22;
	s31 =	sadd.s32 $0x1280, s23  }
0x14e: {  	[tilespmem:s31], [sflag:$0x2] =	stream.linear.gather [hbm4b:s30+s2], $0x80, $0x38;
	[tilespmem:$0x18000] =	vst v63  }
0x14f: {  	s25 =	sadd.s32 $0x20, s22;
	s26 =	sadd.s32 $0x2280, s23  }
0x150: {  	[tilespmem:s26], [sflag:$0x2] =	stream.linear.gather [hbm4b:s25+s2], $0x80, $0x38;
	[tilespmem:$0x18000] =	vst v63  }
0x151: {  	s28 =	sadd.s32 $0x30, s22;
	s29 =	sadd.s32 $0x3280, s23  }
0x152: {  	[tilespmem:s29], [sflag:$0x2] =	stream.linear.gather [hbm4b:s28+s2], $0x80, $0x38;
	[tilespmem:$0x18000] =	vst v63  }
0x153: {  	s21 =	sadd.s32 $0x1, s21;
	s30 =	sadd.s32 $0x40, s22;
	s31 =	sadd.s32 $0x4280, s23  }
0x154: {  	[tilespmem:s31], [sflag:$0x2] =	stream.linear.gather [hbm4b:s30+s2], $0x80, $0x38;
	[tilespmem:$0x18000] =	vst v63  }
0x155: {  	p1 =	sne.s32 s21, $0x3;
	s26 =	sadd.s32 $0x50, s22;
	s28 =	sadd.s32 $0x5280, s23  }
0x156: {  	[tilespmem:s28], [sflag:$0x2] =	stream.linear.gather [hbm4b:s26+s2], $0x80, $0x38;
	[tilespmem:$0x18000] =	vst v63  }
.Ltmp14:
0x157: {  	_ = 	snop;
	(pc) =	sbr.rel @p1 .LBB2_22-.Ltmp14, $4  }
0x158: {  	s29 =	sadd.s32 $0x60, s22;
	s30 =	sadd.s32 $0x6280, s23  }
0x159: {  	[tilespmem:s30], [sflag:$0x2] =	stream.linear.gather [hbm4b:s29+s2], $0x80, $0x38;
	[tilespmem:$0x18000] =	vst v63  }
0x15a: {  	s20 =	sadd.s32 $0x8000, s20;
	s31 =	sadd.s32 $0x70, s22;
	s23 =	sadd.s32 $0x7280, s23  }
0x15b: {  	[tilespmem:s23], [sflag:$0x2] =	stream.linear.gather [hbm4b:s31+s2], $0x80, $0x38;
	[tilespmem:$0x18000] =	vst v63  }
0x15c: {  	_ =	swait.ge [sflag:s7], $0x3000  }
0x15d: {  	[sflag:s7] =	ssyncset.done $0x0  }
0x15e: {  	s20 =	simm.s32 $0x0;
	s21 =	simm.s32 $0x0;
	[sflag:s7] =	ssyncadd.s32 $0xFFFFD000  }
.LBB2_26:
0x15f: {  	s22 =	sshll.u32 s21, $0x9;
	s26 =	sadd.s32 $0x0, s20  }
0x160: {  	s22 =	sadd.s32 s22, s3;
	s23 =	sadd.s32 $0x300, s26  }
0x161: {  	[tilespmem:s23], [sflag:$0x2] =	stream.linear.gather [hbm4b:s22+s2], $0x80, $0x38;
	[tilespmem:$0x18000] =	vst v63  }
0x162: {  	s24 =	sadd.s32 $0x1300, s26;
	s25 =	sadd.s32 $0x10, s22  }
0x163: {  	[tilespmem:s24], [sflag:$0x2] =	stream.linear.gather [hbm4b:s25+s2], $0x80, $0x38;
	[tilespmem:$0x18000] =	vst v63  }
0x164: {  	s29 =	sadd.s32 $0x2300, s26;
	s31 =	sadd.s32 $0x3300, s26;
	s28 =	sadd.s32 $0x20, s22  }
0x165: {  	[tilespmem:s29], [sflag:$0x2] =	stream.linear.gather [hbm4b:s28+s2], $0x80, $0x38;
	[tilespmem:$0x18000] =	vst v63  }
0x166: {  	s30 =	sadd.s32 $0x30, s22;
	s23 =	simm.s32 $0x400;
	s24 =	sadd.s32 $0x40, s22  }
0x167: {  	[tilespmem:s31], [sflag:$0x2] =	stream.linear.gather [hbm4b:s30+s2], $0x80, $0x38;
	[tilespmem:$0x18000] =	vst v63  }
0x168: {  	s25 =	sadd.s32 $0x4300, s26;
	s28 =	sadd.s32 $0x50, s22;
	s29 =	sadd.s32 $0x5300, s26  }
0x169: {  	[tilespmem:s25], [sflag:$0x2] =	stream.linear.gather [hbm4b:s24+s2], $0x80, $0x38;
	[tilespmem:$0x18000] =	vst v63  }
0x16a: {  	s30 =	sadd.s32 $0x60, s22;
	s31 =	sadd.s32 $0x6300, s26;
	s26 =	sadd.s32 $0x7300, s26  }
0x16b: {  	[tilespmem:s29], [sflag:$0x2] =	stream.linear.gather [hbm4b:s28+s2], $0x80, $0x38;
	[tilespmem:$0x18000] =	vst v63  }
0x16c: {  	s24 =	simm.s32 $0x2000;
	s25 =	sadd.s32 $0x70, s22;
	s22 =	sadd.s32 $0x80, s22  }
0x16d: {  	[tilespmem:s31], [sflag:$0x2] =	stream.linear.gather [hbm4b:s30+s2], $0x80, $0x38;
	[tilespmem:$0x18000] =	vst v63  }
.LBB2_27:
0x16e: {  	[tilespmem:s26], [sflag:$0x2] =	stream.linear.gather [hbm4b:s25+s2], $0x80, $0x38;
	[tilespmem:$0x18000] =	vst v63  }
0x16f: {  	s25 =	smov.u32 s24  }
0x170: {  	s28 =	sadd.s32 $0x1000, s24;
	s26 =	sadd.s32 s23, s20;
	s23 =	sshra.s32 s25, $0x2  }
0x171: {  	p1 =	sne.s32 s24, $0x3000;
	s24 =	sadd.s32 $0x300, s26  }
0x172: {  	[tilespmem:s24], [sflag:$0x2] =	stream.linear.gather [hbm4b:s22+s2], $0x80, $0x38;
	[tilespmem:$0x18000] =	vst v63  }
0x173: {  	s25 =	sadd.s32 $0x1300, s26;
	s24 =	sadd.s32 $0x10, s22  }
0x174: {  	[tilespmem:s25], [sflag:$0x2] =	stream.linear.gather [hbm4b:s24+s2], $0x80, $0x38;
	[tilespmem:$0x18000] =	vst v63  }
0x175: {  	s24 =	sadd.s32 $0x20, s22;
	s25 =	sadd.s32 $0x2300, s26  }
0x176: {  	[tilespmem:s25], [sflag:$0x2] =	stream.linear.gather [hbm4b:s24+s2], $0x80, $0x38;
	[tilespmem:$0x18000] =	vst v63  }
0x177: {  	s24 =	sadd.s32 $0x30, s22;
	s25 =	sadd.s32 $0x3300, s26  }
0x178: {  	[tilespmem:s25], [sflag:$0x2] =	stream.linear.gather [hbm4b:s24+s2], $0x80, $0x38;
	[tilespmem:$0x18000] =	vst v63  }
0x179: {  	s24 =	sadd.s32 $0x40, s22;
	s25 =	sadd.s32 $0x4300, s26  }
0x17a: {  	[tilespmem:s25], [sflag:$0x2] =	stream.linear.gather [hbm4b:s24+s2], $0x80, $0x38;
	[tilespmem:$0x18000] =	vst v63  }
.Ltmp15:
0x17b: {  	s24 =	sadd.s32 $0x50, s22;
	s25 =	sadd.s32 $0x5300, s26;
	(pc) =	sbr.rel @p1 .LBB2_27-.Ltmp15, $4  }
0x17c: {  	[tilespmem:s25], [sflag:$0x2] =	stream.linear.gather [hbm4b:s24+s2], $0x80, $0x38;
	[tilespmem:$0x18000] =	vst v63  }
0x17d: {  	s24 =	sadd.s32 $0x60, s22;
	s25 =	sadd.s32 $0x6300, s26;
	s26 =	sadd.s32 $0x7300, s26  }
0x17e: {  	[tilespmem:s25], [sflag:$0x2] =	stream.linear.gather [hbm4b:s24+s2], $0x80, $0x38;
	[tilespmem:$0x18000] =	vst v63  }
0x17f: {  	s25 =	sadd.s32 $0x70, s22;
	s22 =	sadd.s32 $0x80, s22;
	s24 =	smov.u32 s28  }
0x180: {  	[tilespmem:s26], [sflag:$0x2] =	stream.linear.gather [hbm4b:s25+s2], $0x80, $0x38;
	[tilespmem:$0x18000] =	vst v63  }
0x181: {  	s23 =	sadd.s32 s23, s20  }
0x182: {  	s24 =	sadd.s32 $0x300, s23  }
0x183: {  	[tilespmem:s24], [sflag:$0x2] =	stream.linear.gather [hbm4b:s22+s2], $0x80, $0x38;
	[tilespmem:$0x18000] =	vst v63  }
0x184: {  	s30 =	sadd.s32 $0x10, s22;
	s31 =	sadd.s32 $0x1300, s23  }
0x185: {  	[tilespmem:s31], [sflag:$0x2] =	stream.linear.gather [hbm4b:s30+s2], $0x80, $0x38;
	[tilespmem:$0x18000] =	vst v63  }
0x186: {  	s25 =	sadd.s32 $0x20, s22;
	s26 =	sadd.s32 $0x2300, s23  }
0x187: {  	[tilespmem:s26], [sflag:$0x2] =	stream.linear.gather [hbm4b:s25+s2], $0x80, $0x38;
	[tilespmem:$0x18000] =	vst v63  }
0x188: {  	s28 =	sadd.s32 $0x30, s22;
	s29 =	sadd.s32 $0x3300, s23  }
0x189: {  	[tilespmem:s29], [sflag:$0x2] =	stream.linear.gather [hbm4b:s28+s2], $0x80, $0x38;
	[tilespmem:$0x18000] =	vst v63  }
0x18a: {  	s21 =	sadd.s32 $0x1, s21;
	s30 =	sadd.s32 $0x40, s22;
	s31 =	sadd.s32 $0x4300, s23  }
0x18b: {  	[tilespmem:s31], [sflag:$0x2] =	stream.linear.gather [hbm4b:s30+s2], $0x80, $0x38;
	[tilespmem:$0x18000] =	vst v63  }
0x18c: {  	p1 =	sne.s32 s21, $0x3;
	s26 =	sadd.s32 $0x50, s22;
	s28 =	sadd.s32 $0x5300, s23  }
0x18d: {  	[tilespmem:s28], [sflag:$0x2] =	stream.linear.gather [hbm4b:s26+s2], $0x80, $0x38;
	[tilespmem:$0x18000] =	vst v63  }
.Ltmp16:
0x18e: {  	_ = 	snop;
	(pc) =	sbr.rel @p1 .LBB2_26-.Ltmp16, $4  }
0x18f: {  	s29 =	sadd.s32 $0x60, s22;
	s30 =	sadd.s32 $0x6300, s23  }
0x190: {  	[tilespmem:s30], [sflag:$0x2] =	stream.linear.gather [hbm4b:s29+s2], $0x80, $0x38;
	[tilespmem:$0x18000] =	vst v63  }
0x191: {  	s20 =	sadd.s32 $0x8000, s20;
	s31 =	sadd.s32 $0x70, s22;
	s23 =	sadd.s32 $0x7300, s23  }
0x192: {  	[tilespmem:s23], [sflag:$0x2] =	stream.linear.gather [hbm4b:s31+s2], $0x80, $0x38;
	[tilespmem:$0x18000] =	vst v63  }
0x193: {  	_ =	swait.ge [sflag:s7], $0x3000  }
0x194: {  	[sflag:s7] =	ssyncset.done $0x0  }
0x195: {  	s20 =	simm.s32 $0x0;
	s21 =	simm.s32 $0x0;
	[sflag:s7] =	ssyncadd.s32 $0xFFFFD000  }
.LBB2_30:
0x196: {  	s22 =	sshll.u32 s21, $0x9;
	s26 =	sadd.s32 $0x0, s20  }
0x197: {  	s22 =	sadd.s32 s22, s3;
	s23 =	sadd.s32 $0x380, s26  }
0x198: {  	[tilespmem:s23], [sflag:$0x2] =	stream.linear.gather [hbm4b:s22+s2], $0x80, $0x38;
	[tilespmem:$0x18000] =	vst v63  }
0x199: {  	s24 =	sadd.s32 $0x1380, s26;
	s25 =	sadd.s32 $0x10, s22  }
0x19a: {  	[tilespmem:s24], [sflag:$0x2] =	stream.linear.gather [hbm4b:s25+s2], $0x80, $0x38;
	[tilespmem:$0x18000] =	vst v63  }
0x19b: {  	s29 =	sadd.s32 $0x2380, s26;
	s31 =	sadd.s32 $0x3380, s26;
	s28 =	sadd.s32 $0x20, s22  }
0x19c: {  	[tilespmem:s29], [sflag:$0x2] =	stream.linear.gather [hbm4b:s28+s2], $0x80, $0x38;
	[tilespmem:$0x18000] =	vst v63  }
0x19d: {  	s30 =	sadd.s32 $0x30, s22;
	s23 =	simm.s32 $0x400;
	s24 =	sadd.s32 $0x40, s22  }
0x19e: {  	[tilespmem:s31], [sflag:$0x2] =	stream.linear.gather [hbm4b:s30+s2], $0x80, $0x38;
	[tilespmem:$0x18000] =	vst v63  }
0x19f: {  	s25 =	sadd.s32 $0x4380, s26;
	s28 =	sadd.s32 $0x50, s22;
	s29 =	sadd.s32 $0x5380, s26  }
0x1a0: {  	[tilespmem:s25], [sflag:$0x2] =	stream.linear.gather [hbm4b:s24+s2], $0x80, $0x38;
	[tilespmem:$0x18000] =	vst v63  }
0x1a1: {  	s30 =	sadd.s32 $0x60, s22;
	s31 =	sadd.s32 $0x6380, s26;
	s26 =	sadd.s32 $0x7380, s26  }
0x1a2: {  	[tilespmem:s29], [sflag:$0x2] =	stream.linear.gather [hbm4b:s28+s2], $0x80, $0x38;
	[tilespmem:$0x18000] =	vst v63  }
0x1a3: {  	s24 =	simm.s32 $0x2000;
	s25 =	sadd.s32 $0x70, s22;
	s22 =	sadd.s32 $0x80, s22  }
0x1a4: {  	[tilespmem:s31], [sflag:$0x2] =	stream.linear.gather [hbm4b:s30+s2], $0x80, $0x38;
	[tilespmem:$0x18000] =	vst v63  }
.LBB2_31:
0x1a5: {  	[tilespmem:s26], [sflag:$0x2] =	stream.linear.gather [hbm4b:s25+s2], $0x80, $0x38;
	[tilespmem:$0x18000] =	vst v63  }
0x1a6: {  	s25 =	smov.u32 s24  }
0x1a7: {  	s28 =	sadd.s32 $0x1000, s24;
	s26 =	sadd.s32 s23, s20;
	s23 =	sshra.s32 s25, $0x2  }
0x1a8: {  	p1 =	sne.s32 s24, $0x3000;
	s24 =	sadd.s32 $0x380, s26  }
0x1a9: {  	[tilespmem:s24], [sflag:$0x2] =	stream.linear.gather [hbm4b:s22+s2], $0x80, $0x38;
	[tilespmem:$0x18000] =	vst v63  }
0x1aa: {  	s25 =	sadd.s32 $0x1380, s26;
	s24 =	sadd.s32 $0x10, s22  }
0x1ab: {  	[tilespmem:s25], [sflag:$0x2] =	stream.linear.gather [hbm4b:s24+s2], $0x80, $0x38;
	[tilespmem:$0x18000] =	vst v63  }
0x1ac: {  	s24 =	sadd.s32 $0x20, s22;
	s25 =	sadd.s32 $0x2380, s26  }
0x1ad: {  	[tilespmem:s25], [sflag:$0x2] =	stream.linear.gather [hbm4b:s24+s2], $0x80, $0x38;
	[tilespmem:$0x18000] =	vst v63  }
0x1ae: {  	s24 =	sadd.s32 $0x30, s22;
	s25 =	sadd.s32 $0x3380, s26  }
0x1af: {  	[tilespmem:s25], [sflag:$0x2] =	stream.linear.gather [hbm4b:s24+s2], $0x80, $0x38;
	[tilespmem:$0x18000] =	vst v63  }
0x1b0: {  	s24 =	sadd.s32 $0x40, s22;
	s25 =	sadd.s32 $0x4380, s26  }
0x1b1: {  	[tilespmem:s25], [sflag:$0x2] =	stream.linear.gather [hbm4b:s24+s2], $0x80, $0x38;
	[tilespmem:$0x18000] =	vst v63  }
.Ltmp17:
0x1b2: {  	s24 =	sadd.s32 $0x50, s22;
	s25 =	sadd.s32 $0x5380, s26;
	(pc) =	sbr.rel @p1 .LBB2_31-.Ltmp17, $4  }
0x1b3: {  	[tilespmem:s25], [sflag:$0x2] =	stream.linear.gather [hbm4b:s24+s2], $0x80, $0x38;
	[tilespmem:$0x18000] =	vst v63  }
0x1b4: {  	s24 =	sadd.s32 $0x60, s22;
	s25 =	sadd.s32 $0x6380, s26;
	s26 =	sadd.s32 $0x7380, s26  }
0x1b5: {  	[tilespmem:s25], [sflag:$0x2] =	stream.linear.gather [hbm4b:s24+s2], $0x80, $0x38;
	[tilespmem:$0x18000] =	vst v63  }
0x1b6: {  	s25 =	sadd.s32 $0x70, s22;
	s22 =	sadd.s32 $0x80, s22;
	s24 =	smov.u32 s28  }
0x1b7: {  	[tilespmem:s26], [sflag:$0x2] =	stream.linear.gather [hbm4b:s25+s2], $0x80, $0x38;
	[tilespmem:$0x18000] =	vst v63  }
0x1b8: {  	s23 =	sadd.s32 s23, s20  }
0x1b9: {  	s24 =	sadd.s32 $0x380, s23  }
0x1ba: {  	[tilespmem:s24], [sflag:$0x2] =	stream.linear.gather [hbm4b:s22+s2], $0x80, $0x38;
	[tilespmem:$0x18000] =	vst v63  }
0x1bb: {  	s30 =	sadd.s32 $0x10, s22;
	s31 =	sadd.s32 $0x1380, s23  }
0x1bc: {  	[tilespmem:s31], [sflag:$0x2] =	stream.linear.gather [hbm4b:s30+s2], $0x80, $0x38;
	[tilespmem:$0x18000] =	vst v63  }
0x1bd: {  	s25 =	sadd.s32 $0x20, s22;
	s26 =	sadd.s32 $0x2380, s23  }
0x1be: {  	[tilespmem:s26], [sflag:$0x2] =	stream.linear.gather [hbm4b:s25+s2], $0x80, $0x38;
	[tilespmem:$0x18000] =	vst v63  }
0x1bf: {  	s28 =	sadd.s32 $0x30, s22;
	s29 =	sadd.s32 $0x3380, s23  }
0x1c0: {  	[tilespmem:s29], [sflag:$0x2] =	stream.linear.gather [hbm4b:s28+s2], $0x80, $0x38;
	[tilespmem:$0x18000] =	vst v63  }
0x1c1: {  	s21 =	sadd.s32 $0x1, s21;
	s30 =	sadd.s32 $0x40, s22;
	s31 =	sadd.s32 $0x4380, s23  }
0x1c2: {  	[tilespmem:s31], [sflag:$0x2] =	stream.linear.gather [hbm4b:s30+s2], $0x80, $0x38;
	[tilespmem:$0x18000] =	vst v63  }
0x1c3: {  	p1 =	sne.s32 s21, $0x3;
	s26 =	sadd.s32 $0x50, s22;
	s28 =	sadd.s32 $0x5380, s23  }
0x1c4: {  	[tilespmem:s28], [sflag:$0x2] =	stream.linear.gather [hbm4b:s26+s2], $0x80, $0x38;
	[tilespmem:$0x18000] =	vst v63  }
.Ltmp18:
0x1c5: {  	_ = 	snop;
	(pc) =	sbr.rel @p1 .LBB2_30-.Ltmp18, $4  }
0x1c6: {  	s29 =	sadd.s32 $0x60, s22;
	s30 =	sadd.s32 $0x6380, s23  }
0x1c7: {  	[tilespmem:s30], [sflag:$0x2] =	stream.linear.gather [hbm4b:s29+s2], $0x80, $0x38;
	[tilespmem:$0x18000] =	vst v63  }
0x1c8: {  	s20 =	sadd.s32 $0x8000, s20;
	s31 =	sadd.s32 $0x70, s22;
	s23 =	sadd.s32 $0x7380, s23  }
0x1c9: {  	[tilespmem:s23], [sflag:$0x2] =	stream.linear.gather [hbm4b:s31+s2], $0x80, $0x38;
	[tilespmem:$0x18000] =	vst v63  }
0x1ca: {  	_ =	swait.ge [sflag:s7], $0x3000  }
0x1cb: {  	[sflag:s7] =	ssyncset.done $0x0  }
0x1cc: {  	s20 =	simm.s32 $0x0;
	[sflag:s7] =	ssyncadd.s32 $0xFFFFD000  }
.LBB2_34:
0x1cd: {  	p1 =	sne.s32 s20, $0xBC00  }
.Ltmp19:
0x1ce: {  	_ = 	snop;
	(pc) =	sbr.rel @p1 .LBB2_34-.Ltmp19, $3  }
0x1cf: {  	_ =	sdelay $0x1  }
0x1d0: {  	s21 =	sadd.s32 s20, s6;
	s20 =	sadd.s32 $0x400, s20  }
0x1d1: {  	[hbm4b:s21+s8] =	stream.strided.scatter [tilespmem:s2], [sflag:$0x1], $0x18000, s9, s8, $0x38;
	[tilespmem:$0x18000] =	vst v63  }
0x1d2: {  	_ =	swait.ge [sflag:s10], $0x18000  }
0x1d3: {  	s20 =	simm.s32 $0x2F;
	[sflag:s10] =	ssyncset.done $0x0  }
.LBB2_36:
0x1d4: {  	p1 =	seq.s32 s20, $0x1;
	s20 =	sadd.s32 $0xFFFFFFFF, s20;
	[sflag:s10] =	ssyncadd.s32 $0xFFFE8000  }
.Ltmp20:
0x1d5: {  	(pc) =	sbr.rel @!p1 .LBB2_36-.Ltmp20, $3  }
0x1d6: {  	_ =	sdelay $0x1  }
0x1d7: {  	_ =	swait.ge [sflag:s10], $0x18000  }
0x1d8: {  	[sflag:s10] =	ssyncset.done $0x0  }
.Ltmp21:
0x1d9: {  	(pc) =	sbr.rel .LBB2_43-.Ltmp21, $2  }
0x1da: {  	_ =	sdelay $0x2  }
0x1db: {  	[sflag:s10] =	ssyncadd.s32 $0xFFFE8000  }
.LBB2_38:
0x1dc: {  	[tilespmem:s2], [sflag:$0x2] =	stream.linear.gather [hbm4b:s3+s2], $0x3000, $0x38;
	[tilespmem:$0x18000] =	vst v63  }
0x1dd: {  	_ =	swait.ge [sflag:s7], $0x3000  }
0x1de: {  	[sflag:s7] =	ssyncset.done $0x0  }
0x1df: {  	[sflag:s7] =	ssyncadd.s32 $0xFFFFD000  }
0x1e0: {  	[tilespmem:s11], [sflag:$0x2] =	stream.linear.gather [hbm4b:s3+s2], $0x3000, $0x38;
	[tilespmem:$0x18000] =	vst v63  }
0x1e1: {  	_ =	swait.ge [sflag:s7], $0x3000  }
0x1e2: {  	[sflag:s7] =	ssyncset.done $0x0  }
0x1e3: {  	[sflag:s7] =	ssyncadd.s32 $0xFFFFD000  }
0x1e4: {  	[tilespmem:s12], [sflag:$0x2] =	stream.linear.gather [hbm4b:s3+s2], $0x3000, $0x38;
	[tilespmem:$0x18000] =	vst v63  }
0x1e5: {  	_ =	swait.ge [sflag:s7], $0x3000  }
0x1e6: {  	[sflag:s7] =	ssyncset.done $0x0  }
0x1e7: {  	[sflag:s7] =	ssyncadd.s32 $0xFFFFD000  }
0x1e8: {  	[tilespmem:s13], [sflag:$0x2] =	stream.linear.gather [hbm4b:s3+s2], $0x3000, $0x38;
	[tilespmem:$0x18000] =	vst v63  }
0x1e9: {  	_ =	swait.ge [sflag:s7], $0x3000  }
0x1ea: {  	[sflag:s7] =	ssyncset.done $0x0  }
0x1eb: {  	[sflag:s7] =	ssyncadd.s32 $0xFFFFD000  }
0x1ec: {  	[tilespmem:s14], [sflag:$0x2] =	stream.linear.gather [hbm4b:s3+s2], $0x3000, $0x38;
	[tilespmem:$0x18000] =	vst v63  }
0x1ed: {  	_ =	swait.ge [sflag:s7], $0x3000  }
0x1ee: {  	[sflag:s7] =	ssyncset.done $0x0  }
0x1ef: {  	[sflag:s7] =	ssyncadd.s32 $0xFFFFD000  }
0x1f0: {  	[tilespmem:s15], [sflag:$0x2] =	stream.linear.gather [hbm4b:s3+s2], $0x3000, $0x38;
	[tilespmem:$0x18000] =	vst v63  }
0x1f1: {  	_ =	swait.ge [sflag:s7], $0x3000  }
0x1f2: {  	[sflag:s7] =	ssyncset.done $0x0  }
0x1f3: {  	[sflag:s7] =	ssyncadd.s32 $0xFFFFD000  }
0x1f4: {  	[tilespmem:s16], [sflag:$0x2] =	stream.linear.gather [hbm4b:s3+s2], $0x3000, $0x38;
	[tilespmem:$0x18000] =	vst v63  }
0x1f5: {  	_ =	swait.ge [sflag:s7], $0x3000  }
0x1f6: {  	[sflag:s7] =	ssyncset.done $0x0  }
0x1f7: {  	[sflag:s7] =	ssyncadd.s32 $0xFFFFD000  }
0x1f8: {  	[tilespmem:s17], [sflag:$0x2] =	stream.linear.gather [hbm4b:s3+s2], $0x3000, $0x38;
	[tilespmem:$0x18000] =	vst v63  }
0x1f9: {  	_ =	swait.ge [sflag:s7], $0x3000  }
0x1fa: {  	[sflag:s7] =	ssyncset.done $0x0  }
0x1fb: {  	s21 =	sadd.s32 $0x200, s5;
	[sflag:s7] =	ssyncadd.s32 $0xFFFFD000  }
0x1fc: {  	[hbm4b:s21+s8] =	stream.strided.scatter [tilespmem:s2], [sflag:$0x1], $0x3000, s18, s8, $0x38;
	[tilespmem:$0x18000] =	vst v63  }
0x1fd: {  	s20 =	sadd.s32 $0xC000, s21  }
0x1fe: {  	[hbm4b:s20+s8] =	stream.strided.scatter [tilespmem:s11], [sflag:$0x1], $0x3000, s18, s8, $0x38;
	[tilespmem:$0x18000] =	vst v63  }
0x1ff: {  	s26 =	sadd.s32 $0x18000, s21  }
0x200: {  	[hbm4b:s26+s8] =	stream.strided.scatter [tilespmem:s12], [sflag:$0x1], $0x3000, s18, s8, $0x38;
	[tilespmem:$0x18000] =	vst v63  }
0x201: {  	s28 =	sadd.s32 $0x24000, s21  }
0x202: {  	[hbm4b:s28+s8] =	stream.strided.scatter [tilespmem:s13], [sflag:$0x1], $0x3000, s18, s8, $0x38;
	[tilespmem:$0x18000] =	vst v63  }
0x203: {  	s29 =	sadd.s32 $0x30000, s21  }
0x204: {  	[hbm4b:s29+s8] =	stream.strided.scatter [tilespmem:s14], [sflag:$0x1], $0x3000, s18, s8, $0x38;
	[tilespmem:$0x18000] =	vst v63  }
0x205: {  	s30 =	sadd.s32 $0x3C000, s21  }
0x206: {  	[hbm4b:s30+s8] =	stream.strided.scatter [tilespmem:s15], [sflag:$0x1], $0x3000, s18, s8, $0x38;
	[tilespmem:$0x18000] =	vst v63  }
0x207: {  	s31 =	sadd.s32 $0x48000, s21;
	s21 =	sadd.s32 $0x54000, s21;
	s20 =	simm.s32 $0x60200  }
0x208: {  	[hbm4b:s31+s8] =	stream.strided.scatter [tilespmem:s16], [sflag:$0x1], $0x3000, s18, s8, $0x38;
	[tilespmem:$0x18000] =	vst v63  }
.LBB2_39:
0x209: {  	[hbm4b:s21+s8] =	stream.strided.scatter [tilespmem:s17], [sflag:$0x1], $0x3000, s18, s8, $0x38;
	[tilespmem:$0x18000] =	vst v63  }
0x20a: {  	s21 =	sadd.s32 s20, s5;
	p1 =	sne.s32 s20, $0x11A0200;
	s20 =	sadd.s32 $0x60000, s20  }
0x20b: {  	[hbm4b:s21+s8] =	stream.strided.scatter [tilespmem:s2], [sflag:$0x1], $0x3000, s18, s8, $0x38;
	[tilespmem:$0x18000] =	vst v63  }
0x20c: {  	s22 =	sadd.s32 $0xC000, s21  }
0x20d: {  	[hbm4b:s22+s8] =	stream.strided.scatter [tilespmem:s11], [sflag:$0x1], $0x3000, s18, s8, $0x38;
	[tilespmem:$0x18000] =	vst v63  }
0x20e: {  	s22 =	sadd.s32 $0x18000, s21  }
0x20f: {  	[hbm4b:s22+s8] =	stream.strided.scatter [tilespmem:s12], [sflag:$0x1], $0x3000, s18, s8, $0x38;
	[tilespmem:$0x18000] =	vst v63  }
0x210: {  	s22 =	sadd.s32 $0x24000, s21  }
0x211: {  	[hbm4b:s22+s8] =	stream.strided.scatter [tilespmem:s13], [sflag:$0x1], $0x3000, s18, s8, $0x38;
	[tilespmem:$0x18000] =	vst v63  }
0x212: {  	s22 =	sadd.s32 $0x30000, s21  }
0x213: {  	[hbm4b:s22+s8] =	stream.strided.scatter [tilespmem:s14], [sflag:$0x1], $0x3000, s18, s8, $0x38;
	[tilespmem:$0x18000] =	vst v63  }
.Ltmp22:
0x214: {  	s22 =	sadd.s32 $0x3C000, s21;
	(pc) =	sbr.rel @p1 .LBB2_39-.Ltmp22, $4  }
0x215: {  	[hbm4b:s22+s8] =	stream.strided.scatter [tilespmem:s15], [sflag:$0x1], $0x3000, s18, s8, $0x38;
	[tilespmem:$0x18000] =	vst v63  }
0x216: {  	s22 =	sadd.s32 $0x48000, s21  }
0x217: {  	[hbm4b:s22+s8] =	stream.strided.scatter [tilespmem:s16], [sflag:$0x1], $0x3000, s18, s8, $0x38;
	[tilespmem:$0x18000] =	vst v63  }
0x218: {  	s21 =	sadd.s32 $0x54000, s21  }
0x219: {  	[hbm4b:s21+s8] =	stream.strided.scatter [tilespmem:s17], [sflag:$0x1], $0x3000, s18, s8, $0x38;
	[tilespmem:$0x18000] =	vst v63  }
0x21a: {  	_ =	swait.ge [sflag:s10], $0x18000  }
0x21b: {  	s20 =	simm.s32 $0x2F;
	[sflag:s10] =	ssyncset.done $0x0  }
.LBB2_41:
0x21c: {  	p1 =	sne.s32 s20, $0x1;
	s20 =	sadd.s32 $0xFFFFFFFF, s20;
	[sflag:s10] =	ssyncadd.s32 $0xFFFE8000  }
.Ltmp23:
0x21d: {  	(pc) =	sbr.rel @p1 .LBB2_41-.Ltmp23, $3  }
0x21e: {  	_ =	sdelay $0x1  }
0x21f: {  	_ =	swait.ge [sflag:s10], $0x18000  }
0x220: {  	[sflag:s10] =	ssyncset.done $0x0  }
.Ltmp24:
0x221: {  	(pc) =	sbr.rel .LBB2_43-.Ltmp24, $2  }
0x222: {  	_ =	sdelay $0x2  }
0x223: {  	[sflag:s10] =	ssyncadd.s32 $0xFFFE8000  }
.LBB2_44:
0x224: {  	_ =	sfence.sel $0x180000  }
0x225: {  	[bflag:$0x0] =	sbarrier.arrive $0xFFFF  }
0x226: {  	p0 =	sne.s32 s0, $0x0;
	_ =	strace $0x90000047  }
0x227: {  	s0 =	sadd.s32 @!p0 $0x100000, s1;
	[bflag:$0x2] =	sbarrier.arrive $0xFFFF  }
0x228: {  	[sflag:s0] =	ssyncadd.tile.s32 @!p0 $0x1;
	_ =	shalt  }
.Lfunc_end2:
_tile_overlayer_lowered:
.L_overlay_start_2:
0x229: {  	(tag) =	ssettag $0x2  }
0x22a: {  	s0 =	rddreg [dreg:$0x0];
	s2 =	stileid.u32  }
0x22b: {  	s1 =	rddreg [dreg:$0x1];
	p0 =	sne.s32 s2, $0x0  }
0x22c: {  	s3 =	rddreg [dreg:$0x2];
	[bflag:$0x3] =	sbarrier.arrive $0xFFFF;
	s2 =	simm.s32 @!p0 $0x1C02  }
0x22d: {  	[timem:s3], [sflag:s2] =	dma.local @!p0 [hbm:s0], s1  }
0x22e: {  	s0 =	simm.s32 @!p0 $0x2  }
0x22f: {  	_ =	swait.ge @!p0 [sflag:s0], s1  }
0x230: {  	s1 =	ssub.s32 @!p0 $0x0, s1;
	[sflag:s0] =	ssyncset.done @!p0 $0x0  }
0x231: {  	[sflag:s0] =	ssyncadd.s32 @!p0 s1  }
0x232: {  	[bflag:$0x3] =	sbarrier.arrive $0xFFFF  }
0x233: {  	_ =	shalt  }

</sc_bundles>
